<compile_context>
chip_gen: v7x
topology: tpu7x:2x2x1
jax: 0.10.2.dev20260603
libtpu: 0.0.44.dev20260713+nightly
codegen_flags: <defaults>
</compile_context>

<pallas_src>
import functools

import jax
import jax.numpy as jnp
import numpy as np
from jax import lax
from jax.experimental import pallas as pl
from jax.experimental.pallas import tpu as pltpu
from jax.experimental.pallas import tpu_sc as plsc

N_NODES = 10000
N_EDGES = 160000
DF = 256
DH = 512
D = 128

NC, NS = 2, 16
NW = NC * NS
CHUNK = 128
NCHUNK = 39
NXTRA = N_EDGES // CHUNK - NW * NCHUNK
ROWS_PT = 624
ROWS_LAST = N_NODES - 15 * ROWS_PT
ZROWS = 16

MLP_BLK = 5000
MLP_GRID = N_NODES // MLP_BLK
ADD_BLK = 5000
ADD_GRID = N_NODES // ADD_BLK


def _mlp_body(f_ref, w1_ref, b1_ref, w2_ref, b2_ref, wc_ref, o_ref, z_ref):
    z_ref[...] = jnp.zeros_like(z_ref)
    f = f_ref[...].astype(jnp.bfloat16)
    h = lax.dot_general(f, w1_ref[...].astype(jnp.bfloat16),
                        (((1,), (1,)), ((), ())),
                        preferred_element_type=jnp.float32)
    h = h + b1_ref[...][None, :]
    h = jnp.where(h >= 0, h, 0.01 * h)
    x = lax.dot_general(h.astype(jnp.bfloat16), w2_ref[...].astype(jnp.bfloat16),
                        (((1,), (1,)), ((), ())),
                        preferred_element_type=jnp.float32)
    x = x + b2_ref[...][None, :]
    o_ref[...] = jnp.dot(x, wc_ref[...], preferred_element_type=jnp.float32)


def _mlp(features, W1, b1, W2, b2, Wc):
    return pl.pallas_call(
        _mlp_body,
        grid=(MLP_GRID,),
        in_specs=[
            pl.BlockSpec((MLP_BLK, DF), lambda i: (i, 0)),
            pl.BlockSpec((DH, DF), lambda i: (0, 0)),
            pl.BlockSpec((DH,), lambda i: (0,)),
            pl.BlockSpec((D, DH), lambda i: (0, 0)),
            pl.BlockSpec((D,), lambda i: (0,)),
            pl.BlockSpec((D, D), lambda i: (0, 0)),
        ],
        out_specs=[pl.BlockSpec((MLP_BLK, D), lambda i: (i, 0)),
                   pl.BlockSpec((ROWS_LAST // MLP_GRID, D), lambda i: (i, 0))],
        out_shape=[jax.ShapeDtypeStruct((N_NODES, D), jnp.float32),
                   jax.ShapeDtypeStruct((ROWS_LAST, D), jnp.float32)],
    )(features, W1, b1, W2, b2, Wc)


@functools.cache
def _build_gcn_scatter():
  mesh = plsc.VectorSubcoreMesh(
      core_axis_name="c", subcore_axis_name="s", num_cores=NC, num_subcores=NS)

  nbuf = 2
  nck = NCHUNK + 1

  @functools.partial(
      pl.kernel,
      out_type=[jax.ShapeDtypeStruct((N_NODES, D), jnp.float32),
                jax.ShapeDtypeStruct((N_NODES, D), jnp.float32)],
      mesh=mesh,
      scratch_types=[
          pltpu.VMEM((NCHUNK * CHUNK,), jnp.int32),
          pltpu.VMEM((NCHUNK * CHUNK,), jnp.int32),
          pltpu.VMEM((CHUNK,), jnp.int32),
          pltpu.VMEM((CHUNK,), jnp.int32),
          [pltpu.VMEM((CHUNK, D), jnp.float32) for _ in range(nbuf)],
          pltpu.VMEM_SHARED((N_NODES, D), jnp.float32),
          [pltpu.SemaphoreType.DMA for _ in range(nbuf)],
      ],
  )
  def _gcn_scatter(ei_hbm, xlin_hbm, zeros_hbm, out0_hbm, out1_hbm,
                   src_v, dst_v, xsrc_v, xdst_v, bufs, acc, gsems):
    c = lax.axis_index("c")
    s = lax.axis_index("s")
    w = c * NS + s

    off = w * (NCHUNK * CHUNK)
    pltpu.sync_copy(ei_hbm.at[0, pl.ds(off, NCHUNK * CHUNK)], src_v)
    pltpu.sync_copy(ei_hbm.at[1, pl.ds(off, NCHUNK * CHUNK)], dst_v)

    @pl.when(s == 0)
    def _():
      xoff = (NW * NCHUNK + c) * CHUNK
      pltpu.sync_copy(ei_hbm.at[0, pl.ds(xoff, CHUNK)], xsrc_v)
      pltpu.sync_copy(ei_hbm.at[1, pl.ds(xoff, CHUNK)], xdst_v)

    def sidx(j):
      return src_v.at[pl.ds(j * CHUNK, CHUNK)]

    def didx(j):
      return dst_v.at[pl.ds(j * CHUNK, CHUNK)]

    def start_gather_ref(iref, b):
      pltpu.async_copy(xlin_hbm.at[iref], bufs[b], gsems[b])

    def wait_gather_ref(iref, b):
      pltpu.make_async_copy(xlin_hbm.at[iref], bufs[b], gsems[b]).wait()

    def scatter_ref(iref, b):
      pltpu.sync_copy(bufs[b], acc.at[iref], add=True)

    def start_gather(j, b):
      start_gather_ref(sidx(j), b)

    def wait_gather(j, b):
      wait_gather_ref(sidx(j), b)

    def scatter(j, b):
      scatter_ref(didx(j), b)

    for b in range(nbuf):
      start_gather(b, b)

    @pl.when(s < NS - 1)
    def _():
      pltpu.sync_copy(zeros_hbm.at[pl.ds(0, ROWS_PT)],
                      acc.at[pl.ds(s * ROWS_PT, ROWS_PT)])

    @pl.when(s == NS - 1)
    def _():
      pltpu.sync_copy(zeros_hbm.at[pl.ds(0, ROWS_LAST)],
                      acc.at[pl.ds(15 * ROWS_PT, ROWS_LAST)])

    plsc.subcore_barrier()

    ng = (NCHUNK - 1) // nbuf

    def body(g, carry):
      for b in range(nbuf):
        j = nbuf * g + b
        wait_gather(j, b)
        scatter(j, b)

        @pl.when(g < ng - 1)
        def _():
          start_gather(j + nbuf, b)
      return carry

    lax.fori_loop(0, ng, body, 0)

    start_gather(NCHUNK - 1, 0)

    @pl.when(s == 0)
    def _():
      start_gather_ref(xsrc_v, 1)

    wait_gather(NCHUNK - 1, 0)
    scatter(NCHUNK - 1, 0)

    @pl.when(s == 0)
    def _():
      wait_gather_ref(xsrc_v, 1)
      scatter_ref(xdst_v, 1)

    plsc.subcore_barrier()

    def writeout(out_hbm):
      @pl.when(s < NS - 1)
      def _():
        pltpu.sync_copy(acc.at[pl.ds(s * ROWS_PT, ROWS_PT)],
                        out_hbm.at[pl.ds(s * ROWS_PT, ROWS_PT)])

      @pl.when(s == NS - 1)
      def _():
        pltpu.sync_copy(acc.at[pl.ds(15 * ROWS_PT, ROWS_LAST)],
                        out_hbm.at[pl.ds(15 * ROWS_PT, ROWS_LAST)])

    @pl.when(c == 0)
    def _():
      writeout(out0_hbm)

    @pl.when(c == 1)
    def _():
      writeout(out1_hbm)

  return _gcn_scatter


def _add_body(a_ref, b_ref, o_ref):
    o_ref[...] = a_ref[...] + b_ref[...]


def _add(a, b):
    return pl.pallas_call(
        _add_body,
        grid=(ADD_GRID,),
        in_specs=[
            pl.BlockSpec((ADD_BLK, D), lambda i: (i, 0)),
            pl.BlockSpec((ADD_BLK, D), lambda i: (i, 0)),
        ],
        out_specs=pl.BlockSpec((ADD_BLK, D), lambda i: (i, 0)),
        out_shape=jax.ShapeDtypeStruct((N_NODES, D), jnp.float32),
    )(a, b)


def kernel(edge_index, features, W1, b1, W2, b2, Wc):
    x_lin, zeros = _mlp(features, W1, b1, W2, b2, Wc)
    p0, p1 = _build_gcn_scatter()(edge_index, x_lin, zeros)
    return _add(p0, p1)

# --- scband reference (transcript-rebuilt; emitter-appended) ---
"""Pipeline reference for scband-item-gcn-73306501808376 (READ-ONLY COPY).

The authoritative reference and input builder live on the scoring server;
editing this copy changes nothing except your own understanding.
"""

import jax, jax.numpy as jnp
import numpy as np

N_NODES = 10000
N_EDGES = 160000
DIM_FEAT = 256
DIM_LATENT = 128


def setup_inputs(seed: int = 0) -> dict:
    key = jax.random.key(seed)
    ks = jax.random.split(key, 8)
    edge_index = jax.random.randint(ks[0], (2, N_EDGES), 0, N_NODES, dtype=jnp.int32)
    features = jax.random.normal(ks[1], (N_NODES, DIM_FEAT), dtype=jnp.float32)
    # MLP: Linear(dim_feat, 4*dim_latent)
    W1 = jax.random.normal(ks[2], (4 * DIM_LATENT, DIM_FEAT), dtype=jnp.float32) * (1.0 / np.sqrt(DIM_FEAT))
    b1 = jnp.zeros((4 * DIM_LATENT,), dtype=jnp.float32)
    # MLP_1: Linear(4*dim_latent, dim_latent)
    W2 = jax.random.normal(ks[3], (DIM_LATENT, 4 * DIM_LATENT), dtype=jnp.float32) * (1.0 / np.sqrt(4 * DIM_LATENT))
    b2 = jnp.zeros((DIM_LATENT,), dtype=jnp.float32)
    # ItemGCN conv weight (MMGCN-style BaseModel: x @ W then propagate with add aggregation)
    Wc = jax.random.normal(ks[4], (DIM_LATENT, DIM_LATENT), dtype=jnp.float32) * (1.0 / np.sqrt(DIM_LATENT))
    return {"edge_index": edge_index, "features": features, "W1": W1, "b1": b1, "W2": W2, "b2": b2, "Wc": Wc}


def reference(edge_index, features, W1, b1, W2, b2, Wc):
    # temp_features = MLP_1(leaky_relu(MLP(features)))
    h = jax.nn.leaky_relu(features @ W1.T + b1, negative_slope=0.01)
    x = h @ W2.T + b2
    # ItemGCN conv: linear transform then message passing (message = x_j, aggr='add')
    x_lin = x @ Wc
    src = edge_index[0]
    dst = edge_index[1]
    msgs = jnp.take(x_lin, src, axis=0)
    out = jax.ops.segment_sum(msgs, dst, num_segments=N_NODES)
    return out

if __name__ == "__main__":
    import jax
    _d = setup_inputs()
    print(jax.jit(kernel)(*tuple(_d.values())))

</pallas_src>

<mosaic_0001>
#map = affine_map<(d0, d1) -> (0, 0)>
module attributes {stable_mosaic.version = 14 : i64} {
  func.func @_gcn_scatter(%arg0: i32, %arg1: i32, %arg2: memref<2x160000xi32, #tpu.memory_space<hbm>>, %arg3: memref<10000x128xf32, #tpu.memory_space<hbm>>, %arg4: memref<640x128xf32, #tpu.memory_space<hbm>>, %arg5: memref<10000x128xf32, #tpu.memory_space<hbm>>, %arg6: memref<10000x128xf32, #tpu.memory_space<hbm>>, %arg7: memref<4992xi32, #tpu.memory_space<vmem>>, %arg8: memref<4992xi32, #tpu.memory_space<vmem>>, %arg9: memref<128xi32, #tpu.memory_space<vmem>>, %arg10: memref<128xi32, #tpu.memory_space<vmem>>, %arg11: memref<128x128xf32, #tpu.memory_space<vmem>>, %arg12: memref<128x128xf32, #tpu.memory_space<vmem>>, %arg13: memref<10000x128xf32, #tpu.memory_space<vmem_shared>>, %arg14: memref<!tpu.dma_semaphore, #tpu.memory_space<semaphore_mem>>, %arg15: memref<!tpu.dma_semaphore, #tpu.memory_space<semaphore_mem>>) attributes {dimension_semantics = [#tpu.dimension_semantics<core_parallel>, #tpu.dimension_semantics<subcore_parallel>], iteration_bounds = array<i64: 2, 16>, scalar_prefetch = 0 : i64, scratch_operands = 9 : i64, tpu.core_type = #tpu.core_type<sc_vector_subcore>, window_params = [{transform_indices = #map}, {transform_indices = #map}, {transform_indices = #map}, {transform_indices = #map}, {transform_indices = #map}]} {
    %mul3A = arith.constant 16 : i32
    %mul3A_0 = arith.muli %arg0, %mul3A : i32
    %add3A = arith.addi %mul3A_0, %arg1 : i32
    %mul3A_1 = arith.constant 4992 : i32
    %mul3A_2 = arith.muli %add3A, %mul3A_1 : i32
    %run_scoped3A = arith.constant 0 : i32
    "tpu.region"() ({
      %run_scoped3A_59 = tpu.sem_alloc : memref<!tpu.dma_semaphore, #tpu.memory_space<semaphore_mem>>
      %dma_start3A_60 = tpu.memref_slice %arg2[%run_scoped3A, %mul3A_2] : memref<2x160000xi32, #tpu.memory_space<hbm>> -> memref<1x4992xi32, #tpu.memory_space<hbm>>
      %dma_start3A_61 = tpu.memref_squeeze %dma_start3A_60 : memref<1x4992xi32, #tpu.memory_space<hbm>> -> memref<4992xi32, #tpu.memory_space<hbm>>
      %dma_start3A_62 = tpu.memref_slice %arg2[%run_scoped3A, %mul3A_2] : memref<2x160000xi32, #tpu.memory_space<hbm>> -> memref<1x4992xi32, #tpu.memory_space<hbm>>
      %dma_start3A_63 = tpu.memref_squeeze %dma_start3A_62 : memref<1x4992xi32, #tpu.memory_space<hbm>> -> memref<4992xi32, #tpu.memory_space<hbm>>
      tpu.enqueue_dma source(%dma_start3A_63 : memref<4992xi32, #tpu.memory_space<hbm>>) target(%arg7 : memref<4992xi32, #tpu.memory_space<vmem>>) target_semaphore(%run_scoped3A_59 : memref<!tpu.dma_semaphore, #tpu.memory_space<semaphore_mem>>)
      %dma_wait3A_64 = tpu.memref_slice %arg2[%run_scoped3A, %mul3A_2] : memref<2x160000xi32, #tpu.memory_space<hbm>> -> memref<1x4992xi32, #tpu.memory_space<hbm>>
      %dma_wait3A_65 = tpu.memref_squeeze %dma_wait3A_64 : memref<1x4992xi32, #tpu.memory_space<hbm>> -> memref<4992xi32, #tpu.memory_space<hbm>>
      %dma_wait3A_66 = tpu.memref_slice %arg2[%run_scoped3A, %mul3A_2] : memref<2x160000xi32, #tpu.memory_space<hbm>> -> memref<1x4992xi32, #tpu.memory_space<hbm>>
      %dma_wait3A_67 = tpu.memref_squeeze %dma_wait3A_66 : memref<1x4992xi32, #tpu.memory_space<hbm>> -> memref<4992xi32, #tpu.memory_space<hbm>>
      tpu.wait_dma2 semaphore(%run_scoped3A_59 : memref<!tpu.dma_semaphore, #tpu.memory_space<semaphore_mem>>) src(%dma_wait3A_67 : memref<4992xi32, #tpu.memory_space<hbm>>) dst(%arg7 : memref<4992xi32, #tpu.memory_space<vmem>>)
      tpu.yield
    }) : () -> ()
    %run_scoped3A_3 = arith.constant 1 : i32
    "tpu.region"() ({
      %run_scoped3A_59 = tpu.sem_alloc : memref<!tpu.dma_semaphore, #tpu.memory_space<semaphore_mem>>
      %dma_start3A_60 = tpu.memref_slice %arg2[%run_scoped3A_3, %mul3A_2] : memref<2x160000xi32, #tpu.memory_space<hbm>> -> memref<1x4992xi32, #tpu.memory_space<hbm>>
      %dma_start3A_61 = tpu.memref_squeeze %dma_start3A_60 : memref<1x4992xi32, #tpu.memory_space<hbm>> -> memref<4992xi32, #tpu.memory_space<hbm>>
      %dma_start3A_62 = tpu.memref_slice %arg2[%run_scoped3A_3, %mul3A_2] : memref<2x160000xi32, #tpu.memory_space<hbm>> -> memref<1x4992xi32, #tpu.memory_space<hbm>>
      %dma_start3A_63 = tpu.memref_squeeze %dma_start3A_62 : memref<1x4992xi32, #tpu.memory_space<hbm>> -> memref<4992xi32, #tpu.memory_space<hbm>>
      tpu.enqueue_dma source(%dma_start3A_63 : memref<4992xi32, #tpu.memory_space<hbm>>) target(%arg8 : memref<4992xi32, #tpu.memory_space<vmem>>) target_semaphore(%run_scoped3A_59 : memref<!tpu.dma_semaphore, #tpu.memory_space<semaphore_mem>>)
      %dma_wait3A_64 = tpu.memref_slice %arg2[%run_scoped3A_3, %mul3A_2] : memref<2x160000xi32, #tpu.memory_space<hbm>> -> memref<1x4992xi32, #tpu.memory_space<hbm>>
      %dma_wait3A_65 = tpu.memref_squeeze %dma_wait3A_64 : memref<1x4992xi32, #tpu.memory_space<hbm>> -> memref<4992xi32, #tpu.memory_space<hbm>>
      %dma_wait3A_66 = tpu.memref_slice %arg2[%run_scoped3A_3, %mul3A_2] : memref<2x160000xi32, #tpu.memory_space<hbm>> -> memref<1x4992xi32, #tpu.memory_space<hbm>>
      %dma_wait3A_67 = tpu.memref_squeeze %dma_wait3A_66 : memref<1x4992xi32, #tpu.memory_space<hbm>> -> memref<4992xi32, #tpu.memory_space<hbm>>
      tpu.wait_dma2 semaphore(%run_scoped3A_59 : memref<!tpu.dma_semaphore, #tpu.memory_space<semaphore_mem>>) src(%dma_wait3A_67 : memref<4992xi32, #tpu.memory_space<hbm>>) dst(%arg8 : memref<4992xi32, #tpu.memory_space<vmem>>)
      tpu.yield
    }) : () -> ()
    %eq3A = arith.constant 0 : i32
    %eq3A_4 = arith.cmpi eq, %arg1, %eq3A : i32
    %convert_element_type3A = arith.extui %eq3A_4 : i1 to i32
    %cond3A = arith.constant 0 : i32
    %cond3A_5 = arith.cmpi ne, %convert_element_type3A, %cond3A : i32
    scf.if %cond3A_5 {
      %add3A_59 = arith.constant 1248 : i32
      %add3A_60 = arith.addi %add3A_59, %arg0 : i32
      %mul3A_61 = arith.constant 128 : i32
      %mul3A_62 = arith.muli %add3A_60, %mul3A_61 : i32
      %run_scoped3A_63 = arith.constant 0 : i32
      "tpu.region"() ({
        %run_scoped3A_65 = tpu.sem_alloc : memref<!tpu.dma_semaphore, #tpu.memory_space<semaphore_mem>>
        %dma_start3A_66 = tpu.memref_slice %arg2[%run_scoped3A_63, %mul3A_62] : memref<2x160000xi32, #tpu.memory_space<hbm>> -> memref<1x128xi32, #tpu.memory_space<hbm>>
        %dma_start3A_67 = tpu.memref_squeeze %dma_start3A_66 : memref<1x128xi32, #tpu.memory_space<hbm>> -> memref<128xi32, #tpu.memory_space<hbm>>
        %dma_start3A_68 = tpu.memref_slice %arg2[%run_scoped3A_63, %mul3A_62] : memref<2x160000xi32, #tpu.memory_space<hbm>> -> memref<1x128xi32, #tpu.memory_space<hbm>>
        %dma_start3A_69 = tpu.memref_squeeze %dma_start3A_68 : memref<1x128xi32, #tpu.memory_space<hbm>> -> memref<128xi32, #tpu.memory_space<hbm>>
        tpu.enqueue_dma source(%dma_start3A_69 : memref<128xi32, #tpu.memory_space<hbm>>) target(%arg9 : memref<128xi32, #tpu.memory_space<vmem>>) target_semaphore(%run_scoped3A_65 : memref<!tpu.dma_semaphore, #tpu.memory_space<semaphore_mem>>)
        %dma_wait3A_70 = tpu.memref_slice %arg2[%run_scoped3A_63, %mul3A_62] : memref<2x160000xi32, #tpu.memory_space<hbm>> -> memref<1x128xi32, #tpu.memory_space<hbm>>
        %dma_wait3A_71 = tpu.memref_squeeze %dma_wait3A_70 : memref<1x128xi32, #tpu.memory_space<hbm>> -> memref<128xi32, #tpu.memory_space<hbm>>
        %dma_wait3A_72 = tpu.memref_slice %arg2[%run_scoped3A_63, %mul3A_62] : memref<2x160000xi32, #tpu.memory_space<hbm>> -> memref<1x128xi32, #tpu.memory_space<hbm>>
        %dma_wait3A_73 = tpu.memref_squeeze %dma_wait3A_72 : memref<1x128xi32, #tpu.memory_space<hbm>> -> memref<128xi32, #tpu.memory_space<hbm>>
        tpu.wait_dma2 semaphore(%run_scoped3A_65 : memref<!tpu.dma_semaphore, #tpu.memory_space<semaphore_mem>>) src(%dma_wait3A_73 : memref<128xi32, #tpu.memory_space<hbm>>) dst(%arg9 : memref<128xi32, #tpu.memory_space<vmem>>)
        tpu.yield
      }) : () -> ()
      %run_scoped3A_64 = arith.constant 1 : i32
      "tpu.region"() ({
        %run_scoped3A_65 = tpu.sem_alloc : memref<!tpu.dma_semaphore, #tpu.memory_space<semaphore_mem>>
        %dma_start3A_66 = tpu.memref_slice %arg2[%run_scoped3A_64, %mul3A_62] : memref<2x160000xi32, #tpu.memory_space<hbm>> -> memref<1x128xi32, #tpu.memory_space<hbm>>
        %dma_start3A_67 = tpu.memref_squeeze %dma_start3A_66 : memref<1x128xi32, #tpu.memory_space<hbm>> -> memref<128xi32, #tpu.memory_space<hbm>>
        %dma_start3A_68 = tpu.memref_slice %arg2[%run_scoped3A_64, %mul3A_62] : memref<2x160000xi32, #tpu.memory_space<hbm>> -> memref<1x128xi32, #tpu.memory_space<hbm>>
        %dma_start3A_69 = tpu.memref_squeeze %dma_start3A_68 : memref<1x128xi32, #tpu.memory_space<hbm>> -> memref<128xi32, #tpu.memory_space<hbm>>
        tpu.enqueue_dma source(%dma_start3A_69 : memref<128xi32, #tpu.memory_space<hbm>>) target(%arg10 : memref<128xi32, #tpu.memory_space<vmem>>) target_semaphore(%run_scoped3A_65 : memref<!tpu.dma_semaphore, #tpu.memory_space<semaphore_mem>>)
        %dma_wait3A_70 = tpu.memref_slice %arg2[%run_scoped3A_64, %mul3A_62] : memref<2x160000xi32, #tpu.memory_space<hbm>> -> memref<1x128xi32, #tpu.memory_space<hbm>>
        %dma_wait3A_71 = tpu.memref_squeeze %dma_wait3A_70 : memref<1x128xi32, #tpu.memory_space<hbm>> -> memref<128xi32, #tpu.memory_space<hbm>>
        %dma_wait3A_72 = tpu.memref_slice %arg2[%run_scoped3A_64, %mul3A_62] : memref<2x160000xi32, #tpu.memory_space<hbm>> -> memref<1x128xi32, #tpu.memory_space<hbm>>
        %dma_wait3A_73 = tpu.memref_squeeze %dma_wait3A_72 : memref<1x128xi32, #tpu.memory_space<hbm>> -> memref<128xi32, #tpu.memory_space<hbm>>
        tpu.wait_dma2 semaphore(%run_scoped3A_65 : memref<!tpu.dma_semaphore, #tpu.memory_space<semaphore_mem>>) src(%dma_wait3A_73 : memref<128xi32, #tpu.memory_space<hbm>>) dst(%arg10 : memref<128xi32, #tpu.memory_space<vmem>>)
        tpu.yield
      }) : () -> ()
    } else {
    }
    %dma_start3A = arith.constant 0 : i32
    %dma_start3A_6 = tpu.memref_slice %arg7[%dma_start3A] : memref<4992xi32, #tpu.memory_space<vmem>> -> memref<128xi32, #tpu.memory_space<vmem>>
    %dma_start3A_7 = arith.constant 0 : i32
    %dma_start3A_8 = arith.constant 0 : i32
    %dma_start3A_9 = tpu.memref_slice %arg3[%dma_start3A_7, %dma_start3A_8] : memref<10000x128xf32, #tpu.memory_space<hbm>> -> memref<10000x128xf32, #tpu.memory_space<hbm>>
    tpu.enqueue_indirect_dma source(%dma_start3A_9 : memref<10000x128xf32, #tpu.memory_space<hbm>>) target(%arg11 : memref<128x128xf32, #tpu.memory_space<vmem>>) offsets(%dma_start3A_6 : memref<128xi32, #tpu.memory_space<vmem>>) semaphore(%arg14 : memref<!tpu.dma_semaphore, #tpu.memory_space<semaphore_mem>>)
    %dma_start3A_10 = arith.constant 128 : i32
    %dma_start3A_11 = tpu.memref_slice %arg7[%dma_start3A_10] : memref<4992xi32, #tpu.memory_space<vmem>> -> memref<128xi32, #tpu.memory_space<vmem>>
    %dma_start3A_12 = arith.constant 0 : i32
    %dma_start3A_13 = arith.constant 0 : i32
    %dma_start3A_14 = tpu.memref_slice %arg3[%dma_start3A_12, %dma_start3A_13] : memref<10000x128xf32, #tpu.memory_space<hbm>> -> memref<10000x128xf32, #tpu.memory_space<hbm>>
    tpu.enqueue_indirect_dma source(%dma_start3A_14 : memref<10000x128xf32, #tpu.memory_space<hbm>>) target(%arg12 : memref<128x128xf32, #tpu.memory_space<vmem>>) offsets(%dma_start3A_11 : memref<128xi32, #tpu.memory_space<vmem>>) semaphore(%arg15 : memref<!tpu.dma_semaphore, #tpu.memory_space<semaphore_mem>>)
    %lt3A = arith.constant 15 : i32
    %lt3A_15 = arith.cmpi slt, %arg1, %lt3A : i32
    %convert_element_type3A_16 = arith.extui %lt3A_15 : i1 to i32
    %cond3A_17 = arith.constant 0 : i32
    %cond3A_18 = arith.cmpi ne, %convert_element_type3A_16, %cond3A_17 : i32
    scf.if %cond3A_18 {
      %mul3A_59 = arith.constant 624 : i32
      %mul3A_60 = arith.muli %arg1, %mul3A_59 : i32
      "tpu.region"() ({
        %run_scoped3A_61 = tpu.sem_alloc : memref<!tpu.dma_semaphore, #tpu.memory_space<semaphore_mem>>
        %dma_start3A_62 = arith.constant 0 : i32
        %dma_start3A_63 = tpu.memref_slice %arg13[%mul3A_60, %dma_start3A_62] : memref<10000x128xf32, #tpu.memory_space<vmem_shared>> -> memref<624x128xf32, #tpu.memory_space<vmem_shared>>
        %dma_start3A_64 = arith.constant 0 : i32
        %dma_start3A_65 = arith.constant 0 : i32
        %dma_start3A_66 = tpu.memref_slice %arg4[%dma_start3A_64, %dma_start3A_65] : memref<640x128xf32, #tpu.memory_space<hbm>> -> memref<624x128xf32, #tpu.memory_space<hbm>>
        tpu.enqueue_dma source(%dma_start3A_66 : memref<624x128xf32, #tpu.memory_space<hbm>>) target(%dma_start3A_63 : memref<624x128xf32, #tpu.memory_space<vmem_shared>>) target_semaphore(%run_scoped3A_61 : memref<!tpu.dma_semaphore, #tpu.memory_space<semaphore_mem>>)
        %dma_wait3A_67 = arith.constant 0 : i32
        %dma_wait3A_68 = tpu.memref_slice %arg13[%mul3A_60, %dma_wait3A_67] : memref<10000x128xf32, #tpu.memory_space<vmem_shared>> -> memref<624x128xf32, #tpu.memory_space<vmem_shared>>
        %dma_wait3A_69 = arith.constant 0 : i32
        %dma_wait3A_70 = arith.constant 0 : i32
        %dma_wait3A_71 = tpu.memref_slice %arg4[%dma_wait3A_69, %dma_wait3A_70] : memref<640x128xf32, #tpu.memory_space<hbm>> -> memref<624x128xf32, #tpu.memory_space<hbm>>
        tpu.wait_dma2 semaphore(%run_scoped3A_61 : memref<!tpu.dma_semaphore, #tpu.memory_space<semaphore_mem>>) src(%dma_wait3A_71 : memref<624x128xf32, #tpu.memory_space<hbm>>) dst(%dma_wait3A_68 : memref<624x128xf32, #tpu.memory_space<vmem_shared>>)
        tpu.yield
      }) : () -> ()
    } else {
    }
    %eq3A_19 = arith.constant 15 : i32
    %eq3A_20 = arith.cmpi eq, %arg1, %eq3A_19 : i32
    %convert_element_type3A_21 = arith.extui %eq3A_20 : i1 to i32
    %cond3A_22 = arith.constant 0 : i32
    %cond3A_23 = arith.cmpi ne, %convert_element_type3A_21, %cond3A_22 : i32
    scf.if %cond3A_23 {
      "tpu.region"() ({
        %run_scoped3A_59 = tpu.sem_alloc : memref<!tpu.dma_semaphore, #tpu.memory_space<semaphore_mem>>
        %dma_start3A_60 = arith.constant 9360 : i32
        %dma_start3A_61 = arith.constant 0 : i32
        %dma_start3A_62 = tpu.memref_slice %arg13[%dma_start3A_60, %dma_start3A_61] : memref<10000x128xf32, #tpu.memory_space<vmem_shared>> -> memref<640x128xf32, #tpu.memory_space<vmem_shared>>
        %dma_start3A_63 = arith.constant 0 : i32
        %dma_start3A_64 = arith.constant 0 : i32
        %dma_start3A_65 = tpu.memref_slice %arg4[%dma_start3A_63, %dma_start3A_64] : memref<640x128xf32, #tpu.memory_space<hbm>> -> memref<640x128xf32, #tpu.memory_space<hbm>>
        tpu.enqueue_dma source(%dma_start3A_65 : memref<640x128xf32, #tpu.memory_space<hbm>>) target(%dma_start3A_62 : memref<640x128xf32, #tpu.memory_space<vmem_shared>>) target_semaphore(%run_scoped3A_59 : memref<!tpu.dma_semaphore, #tpu.memory_space<semaphore_mem>>)
        %dma_wait3A_66 = arith.constant 9360 : i32
        %dma_wait3A_67 = arith.constant 0 : i32
        %dma_wait3A_68 = tpu.memref_slice %arg13[%dma_wait3A_66, %dma_wait3A_67] : memref<10000x128xf32, #tpu.memory_space<vmem_shared>> -> memref<640x128xf32, #tpu.memory_space<vmem_shared>>
        %dma_wait3A_69 = arith.constant 0 : i32
        %dma_wait3A_70 = arith.constant 0 : i32
        %dma_wait3A_71 = tpu.memref_slice %arg4[%dma_wait3A_69, %dma_wait3A_70] : memref<640x128xf32, #tpu.memory_space<hbm>> -> memref<640x128xf32, #tpu.memory_space<hbm>>
        tpu.wait_dma2 semaphore(%run_scoped3A_59 : memref<!tpu.dma_semaphore, #tpu.memory_space<semaphore_mem>>) src(%dma_wait3A_71 : memref<640x128xf32, #tpu.memory_space<hbm>>) dst(%dma_wait3A_68 : memref<640x128xf32, #tpu.memory_space<vmem_shared>>)
        tpu.yield
      }) : () -> ()
    } else {
    }
    %barrier3A = arith.constant 0 : index
    tpu.barrier barrier_id(%barrier3A)
    %scan3A = arith.constant 0 : i32
    %scan3A_24 = arith.constant 0 : i32
    %scan3A_25 = arith.constant 19 : i32
    %scan3A_26 = arith.addi %scan3A_24, %scan3A_25 : i32
    %scan3A_27 = arith.constant 1 : i32
    scf.for %scan3A_59 = %scan3A_24 to %scan3A_26 step %scan3A_27  : i32 {
      %mul3A_60 = arith.constant 2 : i32
      %mul3A_61 = arith.muli %mul3A_60, %scan3A_59 : i32
      %add3A_62 = arith.constant 0 : i32
      %add3A_63 = arith.addi %mul3A_61, %add3A_62 : i32
      %mul3A_64 = arith.constant 128 : i32
      %mul3A_65 = arith.muli %add3A_63, %mul3A_64 : i32
      %dma_wait3A_66 = tpu.memref_slice %arg7[%mul3A_65] : memref<4992xi32, #tpu.memory_space<vmem>> -> memref<128xi32, #tpu.memory_space<vmem>>
      %dma_wait3A_67 = arith.constant 0 : i32
      %dma_wait3A_68 = arith.constant 0 : i32
      %dma_wait3A_69 = tpu.memref_slice %arg3[%dma_wait3A_67, %dma_wait3A_68] : memref<10000x128xf32, #tpu.memory_space<hbm>> -> memref<10000x128xf32, #tpu.memory_space<hbm>>
      tpu.wait_indirect_dma semaphore(%arg14 : memref<!tpu.dma_semaphore, #tpu.memory_space<semaphore_mem>>) src(%dma_wait3A_69 : memref<10000x128xf32, #tpu.memory_space<hbm>>) dst(%arg11 : memref<128x128xf32, #tpu.memory_space<vmem>>)
      %mul3A_70 = arith.constant 128 : i32
      %mul3A_71 = arith.muli %add3A_63, %mul3A_70 : i32
      "tpu.region"() ({
        %run_scoped3A_94 = tpu.sem_alloc : memref<!tpu.dma_semaphore, #tpu.memory_space<semaphore_mem>>
        %dma_start3A_95 = tpu.memref_slice %arg8[%mul3A_71] : memref<4992xi32, #tpu.memory_space<vmem>> -> memref<128xi32, #tpu.memory_space<vmem>>
        %dma_start3A_96 = arith.constant 0 : i32
        %dma_start3A_97 = arith.constant 0 : i32
        %dma_start3A_98 = tpu.memref_slice %arg13[%dma_start3A_96, %dma_start3A_97] : memref<10000x128xf32, #tpu.memory_space<vmem_shared>> -> memref<10000x128xf32, #tpu.memory_space<vmem_shared>>
        tpu.enqueue_indirect_dma source(%arg11 : memref<128x128xf32, #tpu.memory_space<vmem>>) target(%dma_start3A_98 : memref<10000x128xf32, #tpu.memory_space<vmem_shared>>) offsets(%dma_start3A_95 : memref<128xi32, #tpu.memory_space<vmem>>) semaphore(%run_scoped3A_94 : memref<!tpu.dma_semaphore, #tpu.memory_space<semaphore_mem>>) {add = true}
        %dma_wait3A_99 = tpu.memref_slice %arg8[%mul3A_71] : memref<4992xi32, #tpu.memory_space<vmem>> -> memref<128xi32, #tpu.memory_space<vmem>>
        %dma_wait3A_100 = arith.constant 0 : i32
        %dma_wait3A_101 = arith.constant 0 : i32
        %dma_wait3A_102 = tpu.memref_slice %arg13[%dma_wait3A_100, %dma_wait3A_101] : memref<10000x128xf32, #tpu.memory_space<vmem_shared>> -> memref<10000x128xf32, #tpu.memory_space<vmem_shared>>
        tpu.wait_indirect_dma semaphore(%run_scoped3A_94 : memref<!tpu.dma_semaphore, #tpu.memory_space<semaphore_mem>>) src(%arg11 : memref<128x128xf32, #tpu.memory_space<vmem>>) dst(%dma_wait3A_102 : memref<10000x128xf32, #tpu.memory_space<vmem_shared>>)
        tpu.yield
      }) : () -> ()
      %lt3A_72 = arith.constant 18 : i32
      %lt3A_73 = arith.cmpi slt, %scan3A_59, %lt3A_72 : i32
      %convert_element_type3A_74 = arith.extui %lt3A_73 : i1 to i32
      %cond3A_75 = arith.constant 0 : i32
      %cond3A_76 = arith.cmpi ne, %convert_element_type3A_74, %cond3A_75 : i32
      scf.if %cond3A_76 {
        %add3A_94 = arith.constant 2 : i32
        %add3A_95 = arith.addi %add3A_63, %add3A_94 : i32
        %mul3A_96 = arith.constant 128 : i32
        %mul3A_97 = arith.muli %add3A_95, %mul3A_96 : i32
        %dma_start3A_98 = tpu.memref_slice %arg7[%mul3A_97] : memref<4992xi32, #tpu.memory_space<vmem>> -> memref<128xi32, #tpu.memory_space<vmem>>
        %dma_start3A_99 = arith.constant 0 : i32
        %dma_start3A_100 = arith.constant 0 : i32
        %dma_start3A_101 = tpu.memref_slice %arg3[%dma_start3A_99, %dma_start3A_100] : memref<10000x128xf32, #tpu.memory_space<hbm>> -> memref<10000x128xf32, #tpu.memory_space<hbm>>
        tpu.enqueue_indirect_dma source(%dma_start3A_101 : memref<10000x128xf32, #tpu.memory_space<hbm>>) target(%arg11 : memref<128x128xf32, #tpu.memory_space<vmem>>) offsets(%dma_start3A_98 : memref<128xi32, #tpu.memory_space<vmem>>) semaphore(%arg14 : memref<!tpu.dma_semaphore, #tpu.memory_space<semaphore_mem>>)
      } else {
      }
      %mul3A_77 = arith.constant 2 : i32
      %mul3A_78 = arith.muli %mul3A_77, %scan3A_59 : i32
      %add3A_79 = arith.constant 1 : i32
      %add3A_80 = arith.addi %mul3A_78, %add3A_79 : i32
      %mul3A_81 = arith.constant 128 : i32
      %mul3A_82 = arith.muli %add3A_80, %mul3A_81 : i32
      %dma_wait3A_83 = tpu.memref_slice %arg7[%mul3A_82] : memref<4992xi32, #tpu.memory_space<vmem>> -> memref<128xi32, #tpu.memory_space<vmem>>
      %dma_wait3A_84 = arith.constant 0 : i32
      %dma_wait3A_85 = arith.constant 0 : i32
      %dma_wait3A_86 = tpu.memref_slice %arg3[%dma_wait3A_84, %dma_wait3A_85] : memref<10000x128xf32, #tpu.memory_space<hbm>> -> memref<10000x128xf32, #tpu.memory_space<hbm>>
      tpu.wait_indirect_dma semaphore(%arg15 : memref<!tpu.dma_semaphore, #tpu.memory_space<semaphore_mem>>) src(%dma_wait3A_86 : memref<10000x128xf32, #tpu.memory_space<hbm>>) dst(%arg12 : memref<128x128xf32, #tpu.memory_space<vmem>>)
      %mul3A_87 = arith.constant 128 : i32
      %mul3A_88 = arith.muli %add3A_80, %mul3A_87 : i32
      "tpu.region"() ({
        %run_scoped3A_94 = tpu.sem_alloc : memref<!tpu.dma_semaphore, #tpu.memory_space<semaphore_mem>>
        %dma_start3A_95 = tpu.memref_slice %arg8[%mul3A_88] : memref<4992xi32, #tpu.memory_space<vmem>> -> memref<128xi32, #tpu.memory_space<vmem>>
        %dma_start3A_96 = arith.constant 0 : i32
        %dma_start3A_97 = arith.constant 0 : i32
        %dma_start3A_98 = tpu.memref_slice %arg13[%dma_start3A_96, %dma_start3A_97] : memref<10000x128xf32, #tpu.memory_space<vmem_shared>> -> memref<10000x128xf32, #tpu.memory_space<vmem_shared>>
        tpu.enqueue_indirect_dma source(%arg12 : memref<128x128xf32, #tpu.memory_space<vmem>>) target(%dma_start3A_98 : memref<10000x128xf32, #tpu.memory_space<vmem_shared>>) offsets(%dma_start3A_95 : memref<128xi32, #tpu.memory_space<vmem>>) semaphore(%run_scoped3A_94 : memref<!tpu.dma_semaphore, #tpu.memory_space<semaphore_mem>>) {add = true}
        %dma_wait3A_99 = tpu.memref_slice %arg8[%mul3A_88] : memref<4992xi32, #tpu.memory_space<vmem>> -> memref<128xi32, #tpu.memory_space<vmem>>
        %dma_wait3A_100 = arith.constant 0 : i32
        %dma_wait3A_101 = arith.constant 0 : i32
        %dma_wait3A_102 = tpu.memref_slice %arg13[%dma_wait3A_100, %dma_wait3A_101] : memref<10000x128xf32, #tpu.memory_space<vmem_shared>> -> memref<10000x128xf32, #tpu.memory_space<vmem_shared>>
        tpu.wait_indirect_dma semaphore(%run_scoped3A_94 : memref<!tpu.dma_semaphore, #tpu.memory_space<semaphore_mem>>) src(%arg12 : memref<128x128xf32, #tpu.memory_space<vmem>>) dst(%dma_wait3A_102 : memref<10000x128xf32, #tpu.memory_space<vmem_shared>>)
        tpu.yield
      }) : () -> ()
      %lt3A_89 = arith.constant 18 : i32
      %lt3A_90 = arith.cmpi slt, %scan3A_59, %lt3A_89 : i32
      %convert_element_type3A_91 = arith.extui %lt3A_90 : i1 to i32
      %cond3A_92 = arith.constant 0 : i32
      %cond3A_93 = arith.cmpi ne, %convert_element_type3A_91, %cond3A_92 : i32
      scf.if %cond3A_93 {
        %add3A_94 = arith.constant 2 : i32
        %add3A_95 = arith.addi %add3A_80, %add3A_94 : i32
        %mul3A_96 = arith.constant 128 : i32
        %mul3A_97 = arith.muli %add3A_95, %mul3A_96 : i32
        %dma_start3A_98 = tpu.memref_slice %arg7[%mul3A_97] : memref<4992xi32, #tpu.memory_space<vmem>> -> memref<128xi32, #tpu.memory_space<vmem>>
        %dma_start3A_99 = arith.constant 0 : i32
        %dma_start3A_100 = arith.constant 0 : i32
        %dma_start3A_101 = tpu.memref_slice %arg3[%dma_start3A_99, %dma_start3A_100] : memref<10000x128xf32, #tpu.memory_space<hbm>> -> memref<10000x128xf32, #tpu.memory_space<hbm>>
        tpu.enqueue_indirect_dma source(%dma_start3A_101 : memref<10000x128xf32, #tpu.memory_space<hbm>>) target(%arg12 : memref<128x128xf32, #tpu.memory_space<vmem>>) offsets(%dma_start3A_98 : memref<128xi32, #tpu.memory_space<vmem>>) semaphore(%arg15 : memref<!tpu.dma_semaphore, #tpu.memory_space<semaphore_mem>>)
      } else {
      }
    }
    %scan3A_28 = arith.constant 19 : i32
    %dma_start3A_29 = arith.constant 4864 : i32
    %dma_start3A_30 = tpu.memref_slice %arg7[%dma_start3A_29] : memref<4992xi32, #tpu.memory_space<vmem>> -> memref<128xi32, #tpu.memory_space<vmem>>
    %dma_start3A_31 = arith.constant 0 : i32
    %dma_start3A_32 = arith.constant 0 : i32
    %dma_start3A_33 = tpu.memref_slice %arg3[%dma_start3A_31, %dma_start3A_32] : memref<10000x128xf32, #tpu.memory_space<hbm>> -> memref<10000x128xf32, #tpu.memory_space<hbm>>
    tpu.enqueue_indirect_dma source(%dma_start3A_33 : memref<10000x128xf32, #tpu.memory_space<hbm>>) target(%arg11 : memref<128x128xf32, #tpu.memory_space<vmem>>) offsets(%dma_start3A_30 : memref<128xi32, #tpu.memory_space<vmem>>) semaphore(%arg14 : memref<!tpu.dma_semaphore, #tpu.memory_space<semaphore_mem>>)
    %eq3A_34 = arith.constant 0 : i32
    %eq3A_35 = arith.cmpi eq, %arg1, %eq3A_34 : i32
    %convert_element_type3A_36 = arith.extui %eq3A_35 : i1 to i32
    %cond3A_37 = arith.constant 0 : i32
    %cond3A_38 = arith.cmpi ne, %convert_element_type3A_36, %cond3A_37 : i32
    scf.if %cond3A_38 {
      %dma_start3A_59 = arith.constant 0 : i32
      %dma_start3A_60 = arith.constant 0 : i32
      %dma_start3A_61 = tpu.memref_slice %arg3[%dma_start3A_59, %dma_start3A_60] : memref<10000x128xf32, #tpu.memory_space<hbm>> -> memref<10000x128xf32, #tpu.memory_space<hbm>>
      tpu.enqueue_indirect_dma source(%dma_start3A_61 : memref<10000x128xf32, #tpu.memory_space<hbm>>) target(%arg12 : memref<128x128xf32, #tpu.memory_space<vmem>>) offsets(%arg9 : memref<128xi32, #tpu.memory_space<vmem>>) semaphore(%arg15 : memref<!tpu.dma_semaphore, #tpu.memory_space<semaphore_mem>>)
    } else {
    }
    %dma_wait3A = arith.constant 4864 : i32
    %dma_wait3A_39 = tpu.memref_slice %arg7[%dma_wait3A] : memref<4992xi32, #tpu.memory_space<vmem>> -> memref<128xi32, #tpu.memory_space<vmem>>
    %dma_wait3A_40 = arith.constant 0 : i32
    %dma_wait3A_41 = arith.constant 0 : i32
    %dma_wait3A_42 = tpu.memref_slice %arg3[%dma_wait3A_40, %dma_wait3A_41] : memref<10000x128xf32, #tpu.memory_space<hbm>> -> memref<10000x128xf32, #tpu.memory_space<hbm>>
    tpu.wait_indirect_dma semaphore(%arg14 : memref<!tpu.dma_semaphore, #tpu.memory_space<semaphore_mem>>) src(%dma_wait3A_42 : memref<10000x128xf32, #tpu.memory_space<hbm>>) dst(%arg11 : memref<128x128xf32, #tpu.memory_space<vmem>>)
    "tpu.region"() ({
      %run_scoped3A_59 = tpu.sem_alloc : memref<!tpu.dma_semaphore, #tpu.memory_space<semaphore_mem>>
      %dma_start3A_60 = arith.constant 4864 : i32
      %dma_start3A_61 = tpu.memref_slice %arg8[%dma_start3A_60] : memref<4992xi32, #tpu.memory_space<vmem>> -> memref<128xi32, #tpu.memory_space<vmem>>
      %dma_start3A_62 = arith.constant 0 : i32
      %dma_start3A_63 = arith.constant 0 : i32
      %dma_start3A_64 = tpu.memref_slice %arg13[%dma_start3A_62, %dma_start3A_63] : memref<10000x128xf32, #tpu.memory_space<vmem_shared>> -> memref<10000x128xf32, #tpu.memory_space<vmem_shared>>
      tpu.enqueue_indirect_dma source(%arg11 : memref<128x128xf32, #tpu.memory_space<vmem>>) target(%dma_start3A_64 : memref<10000x128xf32, #tpu.memory_space<vmem_shared>>) offsets(%dma_start3A_61 : memref<128xi32, #tpu.memory_space<vmem>>) semaphore(%run_scoped3A_59 : memref<!tpu.dma_semaphore, #tpu.memory_space<semaphore_mem>>) {add = true}
      %dma_wait3A_65 = arith.constant 4864 : i32
      %dma_wait3A_66 = tpu.memref_slice %arg8[%dma_wait3A_65] : memref<4992xi32, #tpu.memory_space<vmem>> -> memref<128xi32, #tpu.memory_space<vmem>>
      %dma_wait3A_67 = arith.constant 0 : i32
      %dma_wait3A_68 = arith.constant 0 : i32
      %dma_wait3A_69 = tpu.memref_slice %arg13[%dma_wait3A_67, %dma_wait3A_68] : memref<10000x128xf32, #tpu.memory_space<vmem_shared>> -> memref<10000x128xf32, #tpu.memory_space<vmem_shared>>
      tpu.wait_indirect_dma semaphore(%run_scoped3A_59 : memref<!tpu.dma_semaphore, #tpu.memory_space<semaphore_mem>>) src(%arg11 : memref<128x128xf32, #tpu.memory_space<vmem>>) dst(%dma_wait3A_69 : memref<10000x128xf32, #tpu.memory_space<vmem_shared>>)
      tpu.yield
    }) : () -> ()
    %eq3A_43 = arith.constant 0 : i32
    %eq3A_44 = arith.cmpi eq, %arg1, %eq3A_43 : i32
    %convert_element_type3A_45 = arith.extui %eq3A_44 : i1 to i32
    %cond3A_46 = arith.constant 0 : i32
    %cond3A_47 = arith.cmpi ne, %convert_element_type3A_45, %cond3A_46 : i32
    scf.if %cond3A_47 {
      %dma_wait3A_59 = arith.constant 0 : i32
      %dma_wait3A_60 = arith.constant 0 : i32
      %dma_wait3A_61 = tpu.memref_slice %arg3[%dma_wait3A_59, %dma_wait3A_60] : memref<10000x128xf32, #tpu.memory_space<hbm>> -> memref<10000x128xf32, #tpu.memory_space<hbm>>
      tpu.wait_indirect_dma semaphore(%arg15 : memref<!tpu.dma_semaphore, #tpu.memory_space<semaphore_mem>>) src(%dma_wait3A_61 : memref<10000x128xf32, #tpu.memory_space<hbm>>) dst(%arg12 : memref<128x128xf32, #tpu.memory_space<vmem>>)
      "tpu.region"() ({
        %run_scoped3A_62 = tpu.sem_alloc : memref<!tpu.dma_semaphore, #tpu.memory_space<semaphore_mem>>
        %dma_start3A_63 = arith.constant 0 : i32
        %dma_start3A_64 = arith.constant 0 : i32
        %dma_start3A_65 = tpu.memref_slice %arg13[%dma_start3A_63, %dma_start3A_64] : memref<10000x128xf32, #tpu.memory_space<vmem_shared>> -> memref<10000x128xf32, #tpu.memory_space<vmem_shared>>
        tpu.enqueue_indirect_dma source(%arg12 : memref<128x128xf32, #tpu.memory_space<vmem>>) target(%dma_start3A_65 : memref<10000x128xf32, #tpu.memory_space<vmem_shared>>) offsets(%arg10 : memref<128xi32, #tpu.memory_space<vmem>>) semaphore(%run_scoped3A_62 : memref<!tpu.dma_semaphore, #tpu.memory_space<semaphore_mem>>) {add = true}
        %dma_wait3A_66 = arith.constant 0 : i32
        %dma_wait3A_67 = arith.constant 0 : i32
        %dma_wait3A_68 = tpu.memref_slice %arg13[%dma_wait3A_66, %dma_wait3A_67] : memref<10000x128xf32, #tpu.memory_space<vmem_shared>> -> memref<10000x128xf32, #tpu.memory_space<vmem_shared>>
        tpu.wait_indirect_dma semaphore(%run_scoped3A_62 : memref<!tpu.dma_semaphore, #tpu.memory_space<semaphore_mem>>) src(%arg12 : memref<128x128xf32, #tpu.memory_space<vmem>>) dst(%dma_wait3A_68 : memref<10000x128xf32, #tpu.memory_space<vmem_shared>>)
        tpu.yield
      }) : () -> ()
    } else {
    }
    %barrier3A_48 = arith.constant 0 : index
    tpu.barrier barrier_id(%barrier3A_48)
    %eq3A_49 = arith.constant 0 : i32
    %eq3A_50 = arith.cmpi eq, %arg0, %eq3A_49 : i32
    %convert_element_type3A_51 = arith.extui %eq3A_50 : i1 to i32
    %cond3A_52 = arith.constant 0 : i32
    %cond3A_53 = arith.cmpi ne, %convert_element_type3A_51, %cond3A_52 : i32
    scf.if %cond3A_53 {
      %lt3A_59 = arith.constant 15 : i32
      %lt3A_60 = arith.cmpi slt, %arg1, %lt3A_59 : i32
      %convert_element_type3A_61 = arith.extui %lt3A_60 : i1 to i32
      %cond3A_62 = arith.constant 0 : i32
      %cond3A_63 = arith.cmpi ne, %convert_element_type3A_61, %cond3A_62 : i32
      scf.if %cond3A_63 {
        %mul3A_69 = arith.constant 624 : i32
        %mul3A_70 = arith.muli %arg1, %mul3A_69 : i32
        %mul3A_71 = arith.constant 624 : i32
        %mul3A_72 = arith.muli %arg1, %mul3A_71 : i32
        "tpu.region"() ({
          %run_scoped3A_73 = tpu.sem_alloc : memref<!tpu.dma_semaphore, #tpu.memory_space<semaphore_mem>>
          %dma_start3A_74 = arith.constant 0 : i32
          %dma_start3A_75 = tpu.memref_slice %arg5[%mul3A_72, %dma_start3A_74] : memref<10000x128xf32, #tpu.memory_space<hbm>> -> memref<624x128xf32, #tpu.memory_space<hbm>>
          %dma_start3A_76 = arith.constant 0 : i32
          %dma_start3A_77 = tpu.memref_slice %arg13[%mul3A_70, %dma_start3A_76] : memref<10000x128xf32, #tpu.memory_space<vmem_shared>> -> memref<624x128xf32, #tpu.memory_space<vmem_shared>>
          tpu.enqueue_dma source(%dma_start3A_77 : memref<624x128xf32, #tpu.memory_space<vmem_shared>>) target(%dma_start3A_75 : memref<624x128xf32, #tpu.memory_space<hbm>>) target_semaphore(%run_scoped3A_73 : memref<!tpu.dma_semaphore, #tpu.memory_space<semaphore_mem>>)
          %dma_wait3A_78 = arith.constant 0 : i32
          %dma_wait3A_79 = tpu.memref_slice %arg5[%mul3A_72, %dma_wait3A_78] : memref<10000x128xf32, #tpu.memory_space<hbm>> -> memref<624x128xf32, #tpu.memory_space<hbm>>
          %dma_wait3A_80 = arith.constant 0 : i32
          %dma_wait3A_81 = tpu.memref_slice %arg13[%mul3A_70, %dma_wait3A_80] : memref<10000x128xf32, #tpu.memory_space<vmem_shared>> -> memref<624x128xf32, #tpu.memory_space<vmem_shared>>
          tpu.wait_dma2 semaphore(%run_scoped3A_73 : memref<!tpu.dma_semaphore, #tpu.memory_space<semaphore_mem>>) src(%dma_wait3A_81 : memref<624x128xf32, #tpu.memory_space<vmem_shared>>) dst(%dma_wait3A_79 : memref<624x128xf32, #tpu.memory_space<hbm>>)
          tpu.yield
        }) : () -> ()
      } else {
      }
      %eq3A_64 = arith.constant 15 : i32
      %eq3A_65 = arith.cmpi eq, %arg1, %eq3A_64 : i32
      %convert_element_type3A_66 = arith.extui %eq3A_65 : i1 to i32
      %cond3A_67 = arith.constant 0 : i32
      %cond3A_68 = arith.cmpi ne, %convert_element_type3A_66, %cond3A_67 : i32
      scf.if %cond3A_68 {
        "tpu.region"() ({
          %run_scoped3A_69 = tpu.sem_alloc : memref<!tpu.dma_semaphore, #tpu.memory_space<semaphore_mem>>
          %dma_start3A_70 = arith.constant 9360 : i32
          %dma_start3A_71 = arith.constant 0 : i32
          %dma_start3A_72 = tpu.memref_slice %arg5[%dma_start3A_70, %dma_start3A_71] : memref<10000x128xf32, #tpu.memory_space<hbm>> -> memref<640x128xf32, #tpu.memory_space<hbm>>
          %dma_start3A_73 = arith.constant 9360 : i32
          %dma_start3A_74 = arith.constant 0 : i32
          %dma_start3A_75 = tpu.memref_slice %arg13[%dma_start3A_73, %dma_start3A_74] : memref<10000x128xf32, #tpu.memory_space<vmem_shared>> -> memref<640x128xf32, #tpu.memory_space<vmem_shared>>
          tpu.enqueue_dma source(%dma_start3A_75 : memref<640x128xf32, #tpu.memory_space<vmem_shared>>) target(%dma_start3A_72 : memref<640x128xf32, #tpu.memory_space<hbm>>) target_semaphore(%run_scoped3A_69 : memref<!tpu.dma_semaphore, #tpu.memory_space<semaphore_mem>>)
          %dma_wait3A_76 = arith.constant 9360 : i32
          %dma_wait3A_77 = arith.constant 0 : i32
          %dma_wait3A_78 = tpu.memref_slice %arg5[%dma_wait3A_76, %dma_wait3A_77] : memref<10000x128xf32, #tpu.memory_space<hbm>> -> memref<640x128xf32, #tpu.memory_space<hbm>>
          %dma_wait3A_79 = arith.constant 9360 : i32
          %dma_wait3A_80 = arith.constant 0 : i32
          %dma_wait3A_81 = tpu.memref_slice %arg13[%dma_wait3A_79, %dma_wait3A_80] : memref<10000x128xf32, #tpu.memory_space<vmem_shared>> -> memref<640x128xf32, #tpu.memory_space<vmem_shared>>
          tpu.wait_dma2 semaphore(%run_scoped3A_69 : memref<!tpu.dma_semaphore, #tpu.memory_space<semaphore_mem>>) src(%dma_wait3A_81 : memref<640x128xf32, #tpu.memory_space<vmem_shared>>) dst(%dma_wait3A_78 : memref<640x128xf32, #tpu.memory_space<hbm>>)
          tpu.yield
        }) : () -> ()
      } else {
      }
    } else {
    }
    %eq3A_54 = arith.constant 1 : i32
    %eq3A_55 = arith.cmpi eq, %arg0, %eq3A_54 : i32
    %convert_element_type3A_56 = arith.extui %eq3A_55 : i1 to i32
    %cond3A_57 = arith.constant 0 : i32
    %cond3A_58 = arith.cmpi ne, %convert_element_type3A_56, %cond3A_57 : i32
    scf.if %cond3A_58 {
      %lt3A_59 = arith.constant 15 : i32
      %lt3A_60 = arith.cmpi slt, %arg1, %lt3A_59 : i32
      %convert_element_type3A_61 = arith.extui %lt3A_60 : i1 to i32
      %cond3A_62 = arith.constant 0 : i32
      %cond3A_63 = arith.cmpi ne, %convert_element_type3A_61, %cond3A_62 : i32
      scf.if %cond3A_63 {
        %mul3A_69 = arith.constant 624 : i32
        %mul3A_70 = arith.muli %arg1, %mul3A_69 : i32
        %mul3A_71 = arith.constant 624 : i32
        %mul3A_72 = arith.muli %arg1, %mul3A_71 : i32
        "tpu.region"() ({
          %run_scoped3A_73 = tpu.sem_alloc : memref<!tpu.dma_semaphore, #tpu.memory_space<semaphore_mem>>
          %dma_start3A_74 = arith.constant 0 : i32
          %dma_start3A_75 = tpu.memref_slice %arg6[%mul3A_72, %dma_start3A_74] : memref<10000x128xf32, #tpu.memory_space<hbm>> -> memref<624x128xf32, #tpu.memory_space<hbm>>
          %dma_start3A_76 = arith.constant 0 : i32
          %dma_start3A_77 = tpu.memref_slice %arg13[%mul3A_70, %dma_start3A_76] : memref<10000x128xf32, #tpu.memory_space<vmem_shared>> -> memref<624x128xf32, #tpu.memory_space<vmem_shared>>
          tpu.enqueue_dma source(%dma_start3A_77 : memref<624x128xf32, #tpu.memory_space<vmem_shared>>) target(%dma_start3A_75 : memref<624x128xf32, #tpu.memory_space<hbm>>) target_semaphore(%run_scoped3A_73 : memref<!tpu.dma_semaphore, #tpu.memory_space<semaphore_mem>>)
          %dma_wait3A_78 = arith.constant 0 : i32
          %dma_wait3A_79 = tpu.memref_slice %arg6[%mul3A_72, %dma_wait3A_78] : memref<10000x128xf32, #tpu.memory_space<hbm>> -> memref<624x128xf32, #tpu.memory_space<hbm>>
          %dma_wait3A_80 = arith.constant 0 : i32
          %dma_wait3A_81 = tpu.memref_slice %arg13[%mul3A_70, %dma_wait3A_80] : memref<10000x128xf32, #tpu.memory_space<vmem_shared>> -> memref<624x128xf32, #tpu.memory_space<vmem_shared>>
          tpu.wait_dma2 semaphore(%run_scoped3A_73 : memref<!tpu.dma_semaphore, #tpu.memory_space<semaphore_mem>>) src(%dma_wait3A_81 : memref<624x128xf32, #tpu.memory_space<vmem_shared>>) dst(%dma_wait3A_79 : memref<624x128xf32, #tpu.memory_space<hbm>>)
          tpu.yield
        }) : () -> ()
      } else {
      }
      %eq3A_64 = arith.constant 15 : i32
      %eq3A_65 = arith.cmpi eq, %arg1, %eq3A_64 : i32
      %convert_element_type3A_66 = arith.extui %eq3A_65 : i1 to i32
      %cond3A_67 = arith.constant 0 : i32
      %cond3A_68 = arith.cmpi ne, %convert_element_type3A_66, %cond3A_67 : i32
      scf.if %cond3A_68 {
        "tpu.region"() ({
          %run_scoped3A_69 = tpu.sem_alloc : memref<!tpu.dma_semaphore, #tpu.memory_space<semaphore_mem>>
          %dma_start3A_70 = arith.constant 9360 : i32
          %dma_start3A_71 = arith.constant 0 : i32
          %dma_start3A_72 = tpu.memref_slice %arg6[%dma_start3A_70, %dma_start3A_71] : memref<10000x128xf32, #tpu.memory_space<hbm>> -> memref<640x128xf32, #tpu.memory_space<hbm>>
          %dma_start3A_73 = arith.constant 9360 : i32
          %dma_start3A_74 = arith.constant 0 : i32
          %dma_start3A_75 = tpu.memref_slice %arg13[%dma_start3A_73, %dma_start3A_74] : memref<10000x128xf32, #tpu.memory_space<vmem_shared>> -> memref<640x128xf32, #tpu.memory_space<vmem_shared>>
          tpu.enqueue_dma source(%dma_start3A_75 : memref<640x128xf32, #tpu.memory_space<vmem_shared>>) target(%dma_start3A_72 : memref<640x128xf32, #tpu.memory_space<hbm>>) target_semaphore(%run_scoped3A_69 : memref<!tpu.dma_semaphore, #tpu.memory_space<semaphore_mem>>)
          %dma_wait3A_76 = arith.constant 9360 : i32
          %dma_wait3A_77 = arith.constant 0 : i32
          %dma_wait3A_78 = tpu.memref_slice %arg6[%dma_wait3A_76, %dma_wait3A_77] : memref<10000x128xf32, #tpu.memory_space<hbm>> -> memref<640x128xf32, #tpu.memory_space<hbm>>
          %dma_wait3A_79 = arith.constant 9360 : i32
          %dma_wait3A_80 = arith.constant 0 : i32
          %dma_wait3A_81 = tpu.memref_slice %arg13[%dma_wait3A_79, %dma_wait3A_80] : memref<10000x128xf32, #tpu.memory_space<vmem_shared>> -> memref<640x128xf32, #tpu.memory_space<vmem_shared>>
          tpu.wait_dma2 semaphore(%run_scoped3A_69 : memref<!tpu.dma_semaphore, #tpu.memory_space<semaphore_mem>>) src(%dma_wait3A_81 : memref<640x128xf32, #tpu.memory_space<vmem_shared>>) dst(%dma_wait3A_78 : memref<640x128xf32, #tpu.memory_space<hbm>>)
          tpu.yield
        }) : () -> ()
      } else {
      }
    } else {
    }
    return
  }
}

module attributes {stable_mosaic.version = 14 : i64} {
  func.func @_mlp_body(%arg0: i32, %arg1: memref<5000x256xf32, #tpu.memory_space<vmem>>, %arg2: memref<512x256xf32, #tpu.memory_space<vmem>>, %arg3: memref<512xf32, #tpu.memory_space<vmem>>, %arg4: memref<128x512xf32, #tpu.memory_space<vmem>>, %arg5: memref<128xf32, #tpu.memory_space<vmem>>, %arg6: memref<128x128xf32, #tpu.memory_space<vmem>>, %arg7: memref<5000x128xf32, #tpu.memory_space<vmem>>, %arg8: memref<320x128xf32, #tpu.memory_space<vmem>>) attributes {dimension_semantics = [#tpu.dimension_semantics<arbitrary>], iteration_bounds = array<i64: 2>, scalar_prefetch = 0 : i64, scratch_operands = 0 : i64, tpu.core_type = #tpu.core_type<tc>, window_params = [{transform_indices = @transform_0, window_bounds = array<i64: 5000, 256>}, {pipeline_mode = #tpu.pipeline_mode<synchronous>, transform_indices = @transform_1, window_bounds = array<i64: 512, 256>}, {pipeline_mode = #tpu.pipeline_mode<synchronous>, transform_indices = @transform_2, window_bounds = array<i64: 512>}, {pipeline_mode = #tpu.pipeline_mode<synchronous>, transform_indices = @transform_3, window_bounds = array<i64: 128, 512>}, {pipeline_mode = #tpu.pipeline_mode<synchronous>, transform_indices = @transform_4, window_bounds = array<i64: 128>}, {pipeline_mode = #tpu.pipeline_mode<synchronous>, transform_indices = @transform_5, window_bounds = array<i64: 128, 128>}, {transform_indices = @transform_6, window_bounds = array<i64: 5000, 128>}, {transform_indices = @transform_7, window_bounds = array<i64: 320, 128>}]} {
    %broadcast_in_dim3A = arith.constant 0.000000e+00 : f32
    %broadcast_in_dim3A_0 = vector.broadcast %broadcast_in_dim3A : f32 to vector<320x128xf32>
    %swap3A = arith.constant 0 : index
    %swap3A_1 = arith.constant 0 : index
    %swap3A_2 = vector.load %arg8[%swap3A, %swap3A_1] : memref<320x128xf32, #tpu.memory_space<vmem>>, vector<320x128xf32>
    tpu.vector_store %arg8[%swap3A, %swap3A_1], %broadcast_in_dim3A_0 {strides = array<i32>} : memref<320x128xf32, #tpu.memory_space<vmem>>, vector<320x128xf32>,
    %get3A = arith.constant 0 : index
    %get3A_3 = arith.constant 0 : index
    %get3A_4 = vector.load %arg1[%get3A, %get3A_3] : memref<5000x256xf32, #tpu.memory_space<vmem>>, vector<5000x256xf32>
    %convert_element_type3A = arith.truncf %get3A_4 : vector<5000x256xf32> to vector<5000x256xbf16>
    %get3A_5 = arith.constant 0 : index
    %get3A_6 = arith.constant 0 : index
    %get3A_7 = vector.load %arg2[%get3A_5, %get3A_6] : memref<512x256xf32, #tpu.memory_space<vmem>>, vector<512x256xf32>
    %convert_element_type3A_8 = arith.truncf %get3A_7 : vector<512x256xf32> to vector<512x256xbf16>
    %dot_general3A = arith.constant dense<0.000000e+00> : vector<5000x512xf32>
    %dot_general3A_9 = tpu.matmul %convert_element_type3A, %convert_element_type3A_8, %dot_general3A {dimension_numbers = #tpu.dot_dimension_numbers<[1], [1], [0], [0], [0, 0, 1, 0], [], []>, transpose_lhs_hint = false} : vector<5000x256xbf16>, vector<512x256xbf16>, vector<5000x512xf32> -> vector<5000x512xf32>
    %get3A_10 = arith.constant 0 : index
    %get3A_11 = vector.load %arg3[%get3A_10] : memref<512xf32, #tpu.memory_space<vmem>>, vector<512xf32>
    %broadcast_in_dim3A_12 = vector.shape_cast %get3A_11 : vector<512xf32> to vector<1x512xf32>
    %add3A = vector.broadcast %broadcast_in_dim3A_12 : vector<1x512xf32> to vector<5000x512xf32>
    %add3A_13 = arith.addf %dot_general3A_9, %add3A : vector<5000x512xf32>
    %ge3A = arith.constant 0.000000e+00 : f32
    %ge3A_14 = vector.broadcast %ge3A : f32 to vector<5000x512xf32>
    %ge3A_15 = arith.cmpf oge, %add3A_13, %ge3A_14 : vector<5000x512xf32>
    %mul3A = arith.constant 0.00999999977 : f32
    %mul3A_16 = vector.broadcast %mul3A : f32 to vector<5000x512xf32>
    %mul3A_17 = arith.mulf %mul3A_16, %add3A_13 : vector<5000x512xf32>
    %select_n3A = arith.select %ge3A_15, %add3A_13, %mul3A_17 : vector<5000x512xi1>, vector<5000x512xf32>
    %convert_element_type3A_18 = arith.truncf %select_n3A : vector<5000x512xf32> to vector<5000x512xbf16>
    %get3A_19 = arith.constant 0 : index
    %get3A_20 = arith.constant 0 : index
    %get3A_21 = vector.load %arg4[%get3A_19, %get3A_20] : memref<128x512xf32, #tpu.memory_space<vmem>>, vector<128x512xf32>
    %convert_element_type3A_22 = arith.truncf %get3A_21 : vector<128x512xf32> to vector<128x512xbf16>
    %dot_general3A_23 = arith.constant dense<0.000000e+00> : vector<5000x128xf32>
    %dot_general3A_24 = tpu.matmul %convert_element_type3A_18, %convert_element_type3A_22, %dot_general3A_23 {dimension_numbers = #tpu.dot_dimension_numbers<[1], [1], [0], [0], [0, 0, 1, 0], [], []>, transpose_lhs_hint = false} : vector<5000x512xbf16>, vector<128x512xbf16>, vector<5000x128xf32> -> vector<5000x128xf32>
    %get3A_25 = arith.constant 0 : index
    %get3A_26 = vector.load %arg5[%get3A_25] : memref<128xf32, #tpu.memory_space<vmem>>, vector<128xf32>
    %broadcast_in_dim3A_27 = vector.shape_cast %get3A_26 : vector<128xf32> to vector<1x128xf32>
    %add3A_28 = vector.broadcast %broadcast_in_dim3A_27 : vector<1x128xf32> to vector<5000x128xf32>
    %add3A_29 = arith.addf %dot_general3A_24, %add3A_28 : vector<5000x128xf32>
    %get3A_30 = arith.constant 0 : index
    %get3A_31 = arith.constant 0 : index
    %get3A_32 = vector.load %arg6[%get3A_30, %get3A_31] : memref<128x128xf32, #tpu.memory_space<vmem>>, vector<128x128xf32>
    %dot_general3A_33 = arith.constant dense<0.000000e+00> : vector<5000x128xf32>
    %dot_general3A_34 = tpu.matmul %add3A_29, %get3A_32, %dot_general3A_33 {dimension_numbers = #tpu.dot_dimension_numbers<[1], [0], [0], [1], [0, 0, 1, 1], [], []>, transpose_lhs_hint = false} : vector<5000x128xf32>, vector<128x128xf32>, vector<5000x128xf32> -> vector<5000x128xf32>
    %swap3A_35 = arith.constant 0 : index
    %swap3A_36 = arith.constant 0 : index
    %swap3A_37 = vector.load %arg7[%swap3A_35, %swap3A_36] : memref<5000x128xf32, #tpu.memory_space<vmem>>, vector<5000x128xf32>
    tpu.vector_store %arg7[%swap3A_35, %swap3A_36], %dot_general3A_34 {strides = array<i32>} : memref<5000x128xf32, #tpu.memory_space<vmem>>, vector<5000x128xf32>,
    return
  }
  func.func @transform_0(%arg0: i32) -> (i32, i32) {
    %c0_i32 = arith.constant 0 : i32
    %c0_i32_0 = arith.constant 0 : i32
    return %arg0, %c0_i32 : i32, i32
  }
  func.func @transform_1(%arg0: i32) -> (i32, i32) {
    %c0_i32 = arith.constant 0 : i32
    %c0_i32_0 = arith.constant 0 : i32
    %c0_i32_1 = arith.constant 0 : i32
    return %c0_i32, %c0_i32_0 : i32, i32
  }
  func.func @transform_2(%arg0: i32) -> i32 {
    %c0_i32 = arith.constant 0 : i32
    %c0_i32_0 = arith.constant 0 : i32
    return %c0_i32 : i32
  }
  func.func @transform_3(%arg0: i32) -> (i32, i32) {
    %c0_i32 = arith.constant 0 : i32
    %c0_i32_0 = arith.constant 0 : i32
    %c0_i32_1 = arith.constant 0 : i32
    return %c0_i32, %c0_i32_0 : i32, i32
  }
  func.func @transform_4(%arg0: i32) -> i32 {
    %c0_i32 = arith.constant 0 : i32
    %c0_i32_0 = arith.constant 0 : i32
    return %c0_i32 : i32
  }
  func.func @transform_5(%arg0: i32) -> (i32, i32) {
    %c0_i32 = arith.constant 0 : i32
    %c0_i32_0 = arith.constant 0 : i32
    %c0_i32_1 = arith.constant 0 : i32
    return %c0_i32, %c0_i32_0 : i32, i32
  }
  func.func @transform_6(%arg0: i32) -> (i32, i32) {
    %c0_i32 = arith.constant 0 : i32
    %c0_i32_0 = arith.constant 0 : i32
    return %arg0, %c0_i32 : i32, i32
  }
  func.func @transform_7(%arg0: i32) -> (i32, i32) {
    %c0_i32 = arith.constant 0 : i32
    %c0_i32_0 = arith.constant 0 : i32
    return %arg0, %c0_i32 : i32, i32
  }
}

module attributes {stable_mosaic.version = 14 : i64} {
  func.func @_add_body(%arg0: i32, %arg1: memref<5000x128xf32, #tpu.memory_space<vmem>>, %arg2: memref<5000x128xf32, #tpu.memory_space<vmem>>, %arg3: memref<5000x128xf32, #tpu.memory_space<vmem>>) attributes {dimension_semantics = [#tpu.dimension_semantics<arbitrary>], iteration_bounds = array<i64: 2>, scalar_prefetch = 0 : i64, scratch_operands = 0 : i64, tpu.core_type = #tpu.core_type<tc>, window_params = [{transform_indices = @transform_0, window_bounds = array<i64: 5000, 128>}, {transform_indices = @transform_1, window_bounds = array<i64: 5000, 128>}, {transform_indices = @transform_2, window_bounds = array<i64: 5000, 128>}]} {
    %get3A = arith.constant 0 : index
    %get3A_0 = arith.constant 0 : index
    %get3A_1 = vector.load %arg1[%get3A, %get3A_0] : memref<5000x128xf32, #tpu.memory_space<vmem>>, vector<5000x128xf32>
    %get3A_2 = arith.constant 0 : index
    %get3A_3 = arith.constant 0 : index
    %get3A_4 = vector.load %arg2[%get3A_2, %get3A_3] : memref<5000x128xf32, #tpu.memory_space<vmem>>, vector<5000x128xf32>
    %add3A = arith.addf %get3A_1, %get3A_4 : vector<5000x128xf32>
    %swap3A = arith.constant 0 : index
    %swap3A_5 = arith.constant 0 : index
    %swap3A_6 = vector.load %arg3[%swap3A, %swap3A_5] : memref<5000x128xf32, #tpu.memory_space<vmem>>, vector<5000x128xf32>
    tpu.vector_store %arg3[%swap3A, %swap3A_5], %add3A {strides = array<i32>} : memref<5000x128xf32, #tpu.memory_space<vmem>>, vector<5000x128xf32>,
    return
  }
  func.func @transform_0(%arg0: i32) -> (i32, i32) {
    %c0_i32 = arith.constant 0 : i32
    %c0_i32_0 = arith.constant 0 : i32
    return %arg0, %c0_i32 : i32, i32
  }
  func.func @transform_1(%arg0: i32) -> (i32, i32) {
    %c0_i32 = arith.constant 0 : i32
    %c0_i32_0 = arith.constant 0 : i32
    return %arg0, %c0_i32 : i32, i32
  }
  func.func @transform_2(%arg0: i32) -> (i32, i32) {
    %c0_i32 = arith.constant 0 : i32
    %c0_i32_0 = arith.constant 0 : i32
    return %arg0, %c0_i32 : i32, i32
  }
}

</mosaic_0001>

<sc_bundles>
// kernel: kernel.5.cloned.1.call-start
scs
__scs_entry_jumppad:
0x0: {  	(pc) =	sbr.rel $0x88, $3  }
0x1: {  	(tag) =	ssettag $0x0;
	lr =	simm.s32 $0x1  }
0x2: {  	[smem:$0x3F9A] =	sst lr;
	_ =	strace $0xD0000000  }
0x3: {  	_ = 	snop  }
0x4: {  	_ = 	snop  }
0x5: {  	_ = 	snop  }
0x6: {  	_ = 	snop  }
0x7: {  	_ = 	snop  }
__scs_overlays_trampoline_lowered:
0x8: {  	[smem:$0x3FA9] =	sst s0  }
0x9: {  	[smem:$0x3FAA] =	sst s1  }
0xa: {  	[smem:$0x3FAB] =	sst s2  }
0xb: {  	[smem:$0x3FAC] =	sst s3  }
0xc: {  	[smem:$0x3FAD] =	sst s4  }
0xd: {  	[smem:$0x3FAE] =	sst s5  }
0xe: {  	[smem:$0x3FAF] =	sst s6  }
0xf: {  	[smem:$0x3FB0] =	sst s7  }
0x10: {  	[smem:$0x3FB1] =	sst s8  }
0x11: {  	[smem:$0x3FB2] =	sst s9;
	s0 =	simm.s32 @!p0 $0x0  }
0x12: {  	s1 =	sld [smem:$0x3F98];
	s0 =	simm.s32 @p0 $0x1  }
0x13: {  	[smem:$0x3FB3] =	sst s0;
	s0 =	simm.s32 @!p1 $0x0  }
0x14: {  	s2 =	sld [smem:$0x3F97];
	s0 =	simm.s32 @p1 $0x1  }
0x15: {  	[smem:$0x3FB4] =	sst s0;
	s0 =	simm.s32 @!p2 $0x0  }
0x16: {  	s3 =	sld [smem:$0x3FDB];
	s0 =	simm.s32 @p2 $0x1  }
0x17: {  	s4 =	simm.s32 $0x1BF5;
	[smem:$0x3FB6] =	sst s0  }
0x18: {  	s0 =	sld [smem:$0x3F99];
	_ =	swait.ge [sflag:s4], $0x0  }
0x19: {  	s7 =	sld [smem:$0x3F9A]  }
0x1a: {  	s8 =	sadd.s32 $0xFFFFE003, lr  }
0x1b: {  	s9 =	sadd.s32 $0xFFFFFEF7, lr;
	s5 =	simm.s32 $0xFFFFFFFF;
	p2 =	slt.u32 s8, $0xFFFFF086  }
0x1c: {  	p1 =	slt.u32 s9, $0xF7A;
	s5 =	simm.s32 @!p2 $0x0  }
0x1d: {  	s5 =	simm.s32 @p1 $0x1;
	p0 =	seq.s32 s7, s2  }
0x1e: {  	s7 =	smul.u32 @!p0 $0xF7A, s2;
	p2 =	seq.s32 @!p0 s5, $0x0  }
0x1f: {  	s9 =	smul.u32 $0xF7A, s1;
	s8 =	simm.s32 @!p0 $0x1BF5;
	p2 =	por !p2, p0  }
0x20: {  	[sflag:s8] =	ssyncset.s32 @!p0 $0xFFFFF086;
	s6 =	sadd.s32 @!p0 s3, s7;
	s7 =	simm.s32 @!p0 $0x108  }
0x21: {  	s3 =	sadd.s32 s3, s9;
	s6 =	sadd.s32 @!p0 $0x88, s6;
	s7 =	simm.s32 @p2 $0x1082  }
0x22: {  	[simem:s7], [sflag:s8] =	dma.local @!p0 [hbm:s6], $0xF7A  }
0x23: {  	s9 =	sor.u32 $0xD0000000, s2;
	s6 =	simm.s32 $0x108;
	_ =	swait.ge @!p0 [sflag:s8], $0x0  }
0x24: {  	s3 =	sadd.s32 $0x88, s3;
	s6 =	simm.s32 @!p1 $0x1082;
	[sflag:s4] =	ssyncset.s32 $0xFFFFF086  }
0x25: {  	[simem:s6], [sflag:s4] =	dma.local [hbm:s3], $0xF7A  }
0x26: {  	[smem:$0x3F9A] =	sst s1;
	(tag) =	ssettag s2;
	_ =	strace s9  }
0x27: {  	s1 =	sld [smem:$0x3FAA]  }
0x28: {  	s2 =	sld [smem:$0x3FAB]  }
0x29: {  	s4 =	sld [smem:$0x3FAD]  }
0x2a: {  	p0 =	seq.s32 s5, $0x0;
	s5 =	sld [smem:$0x3FAE]  }
0x2b: {  	s6 =	sld [smem:$0x3FAF]  }
0x2c: {  	s7 =	sld [smem:$0x3FB0]  }
0x2d: {  	s3 =	simm.s32 $0x108;
	s8 =	sld [smem:$0x3FB1]  }
0x2e: {  	s3 =	simm.s32 @!p0 $0x1082;
	s9 =	sld [smem:$0x3FB2]  }
0x2f: {  	lr =	sadd.s32 s0, s3;
	s0 =	sld [smem:$0x3FA9]  }
0x30: {  	s3 =	sld [smem:$0x3FAC]  }
0x31: {  	[smem:$0x3FB5] =	sst s10  }
0x32: {  	s10 =	sld [smem:$0x3FB3];
	_ =	sdelay $0x3  }
0x33: {  	p0 =	seq.s32 s10, $0x1;
	s10 =	sld [smem:$0x3FB5];
	_ =	sdelay $0x3  }
0x34: {  	[smem:$0x3FB5] =	sst s10  }
0x35: {  	s10 =	sld [smem:$0x3FB4];
	_ =	sdelay $0x3  }
0x36: {  	p1 =	seq.s32 s10, $0x1;
	s10 =	sld [smem:$0x3FB5];
	_ =	sdelay $0x3  }
0x37: {  	[smem:$0x3FB5] =	sst s10  }
0x38: {  	s10 =	sld [smem:$0x3FB6]  }
0x39: {  	_ = 	snop;
	(pc) =	sbr.ind lr, $3  }
0x3a: {  	_ = 	snop  }
0x3b: {  	_ = 	snop  }
0x3c: {  	p2 =	seq.s32 s10, $0x1;
	s10 =	sld [smem:$0x3FB5]  }
0x3d: {  	_ =	shalt  }
0x3e: {  	_ =	shalt  }
0x3f: {  	_ =	shalt  }
0x40: {  	_ =	shalt  }
0x41: {  	_ =	shalt  }
0x42: {  	_ =	shalt  }
0x43: {  	_ =	shalt  }
0x44: {  	_ =	shalt  }
0x45: {  	_ =	shalt  }
0x46: {  	_ =	shalt  }
0x47: {  	_ =	shalt  }
0x48: {  	_ =	shalt  }
0x49: {  	_ =	shalt  }
0x4a: {  	_ =	shalt  }
0x4b: {  	_ =	shalt  }
0x4c: {  	_ =	shalt  }
0x4d: {  	_ =	shalt  }
0x4e: {  	_ =	shalt  }
0x4f: {  	_ =	shalt  }
0x50: {  	_ =	shalt  }
0x51: {  	_ =	shalt  }
0x52: {  	_ =	shalt  }
0x53: {  	_ =	shalt  }
0x54: {  	_ =	shalt  }
0x55: {  	_ =	shalt  }
0x56: {  	_ =	shalt  }
0x57: {  	_ =	shalt  }
0x58: {  	_ =	shalt  }
0x59: {  	_ =	shalt  }
0x5a: {  	_ =	shalt  }
0x5b: {  	_ =	shalt  }
0x5c: {  	_ =	shalt  }
0x5d: {  	_ =	shalt  }
0x5e: {  	_ =	shalt  }
0x5f: {  	_ =	shalt  }
0x60: {  	_ =	shalt  }
0x61: {  	_ =	shalt  }
0x62: {  	_ =	shalt  }
0x63: {  	_ =	shalt  }
0x64: {  	_ =	shalt  }
0x65: {  	_ =	shalt  }
0x66: {  	_ =	shalt  }
0x67: {  	_ =	shalt  }
0x68: {  	_ =	shalt  }
0x69: {  	_ =	shalt  }
0x6a: {  	_ =	shalt  }
0x6b: {  	_ =	shalt  }
0x6c: {  	_ =	shalt  }
0x6d: {  	_ =	shalt  }
0x6e: {  	_ =	shalt  }
0x6f: {  	_ =	shalt  }
0x70: {  	_ =	shalt  }
0x71: {  	_ =	shalt  }
0x72: {  	_ =	shalt  }
0x73: {  	_ =	shalt  }
0x74: {  	_ =	shalt  }
0x75: {  	_ =	shalt  }
0x76: {  	_ =	shalt  }
0x77: {  	_ =	shalt  }
0x78: {  	_ =	shalt  }
0x79: {  	_ =	shalt  }
0x7a: {  	_ =	shalt  }
0x7b: {  	_ =	shalt  }
0x7c: {  	_ =	shalt  }
0x7d: {  	_ =	shalt  }
0x7e: {  	_ =	shalt  }
0x7f: {  	_ =	shalt  }
0x80: {  	_ =	shalt  }
0x81: {  	_ =	shalt  }
0x82: {  	_ =	shalt  }
0x83: {  	_ =	shalt  }
0x84: {  	_ =	shalt  }
0x85: {  	_ =	shalt  }
0x86: {  	_ =	shalt  }
0x87: {  	_ =	shalt  }
.Lfunc_end0:
.L_simem_size_0:
called_computation_lowered:
.L_overlay_start_0:
0x88: {  	s2 =	sld [smem:$0x3FD9]  }
0x89: {  	s3 =	sld [smem:$0x3FFE];
	_ =	sdelay $0x1  }
0x8a: {  	s1 =	srdreg.scid  }
0x8b: {  	s0 =	sand.u32 $0x1, s1  }
0x8c: {  	s17 =	sshll.u32 s0, $0xA;
	s2 =	sadd.s32 s3, s2  }
0x8d: {  	s2 =	sadd.s32 s2, s17  }
0x8e: {  	[smem:$0x3FC1] =	sst s2  }
0x8f: {  	_ = 	snop  }
0x90: {  	s2 =	sld [smem:$0x3FC9]  }
0x91: {  	s18 =	sld [smem:$0x3FD0];
	(tm) =	ssettm $0x1  }
0x92: {  	s4 =	sld [smem:$0x3FFB];
	_ =	sdelay $0x3  }
0x93: {  	_ =	strace s4  }
0x94: {  	s4 =	sld [smem:$0x3FFC];
	_ =	sdelay $0x3  }
0x95: {  	_ =	strace s4  }
0x96: {  	s4 =	sld [smem:$0x3FFD];
	_ =	sdelay $0x3  }
0x97: {  	_ =	strace s4  }
0x98: {  	_ =	strace $0x8FFFFFFF  }
0x99: {  	s19 =	sld [smem:$0x3FDB];
	_ =	sdelay $0x1  }
0x9a: {  	s5 =	simm.s32 $_scs_section_size  }
0x9b: {  	s6 =	simm.s32 $_size__tile_overlayer_lowered;
	s7 =	simm.s32 $_tile_overlayer_lowered  }
0x9c: {  	s22 =	simm.s32 $0x1BFF;
	s21 =	sshll.u32 s7, $0x1;
	s4 =	sadd.s32 s5, s19  }
0x9d: {  	s8 =	simm.s32 $0x0;
	s20 =	sshll.u32 s6, $0x1;
	s6 =	sadd.s32 s21, s4  }
0x9e: {  	[timem:s8], [sflag:s22] =	dma.local [hbm:s6], s20  }
0x9f: {  	_ =	swait.ge [sflag:s22], s20  }
0xa0: {  	s5 =	ssub.s32 $0x0, s20;
	[sflag:s22] =	ssyncset.done $0x0  }
0xa1: {  	[sflag:s22] =	ssyncadd.s32 s5;
	_ =	sdelay $0x1  }
0xa2: {  	s23 =	simm.s32 $0x1B8B  }
0xa3: {  	_ =	swait.ge [sflag:s23], $0x1  }
0xa4: {  	[sflag:s23] =	ssyncset.done $0x0  }
0xa5: {  	s25 =	simm.s32 $0x1B8E;
	s24 =	sld [smem:$0x3FFE];
	[sflag:s23] =	ssyncadd.s32 $0xFFFFFFFF  }
0xa6: {  	s26 =	simm.s32 $execute0_lowered;
	[smem:$0x3FD2] =	sst s25  }
0xa7: {  	s6 =	sshll.u32 s26, $0x1;
	_ =	strace $0x80000046;
	[dreg:$0x1] =	wrdreg $0xFFFFFFFF  }
0xa8: {  	s28 =	simm.s32 $_size_execute0_lowered;
	s4 =	sadd.s32 s4, s6;
	[dreg:$0x0] =	wrdreg $0x0  }
0xa9: {  	s6 =	sshll.u32 s28, $0x1;
	[dreg:$0x2] =	wrdreg s4  }
0xaa: {  	[dreg:$0x3] =	wrdreg s6  }
0xab: {  	[dreg:$0x4] =	wrdreg $0xC0  }
0xac: {  	_ =	task [dreg:s8], $0x5FFFF  }
0xad: {  	[dreg:$0x1] =	wrdreg $0xFFFFFFFF  }
0xae: {  	[dreg:$0x0] =	wrdreg $0x60  }
0xaf: {  	[dreg:$0x2] =	wrdreg s2  }
0xb0: {  	[dreg:$0x3] =	wrdreg s18  }
0xb1: {  	[dreg:$0x4] =	wrdreg s24  }
0xb2: {  	[dreg:$0x5] =	wrdreg $0xA8000  }
0xb3: {  	[dreg:$0x6] =	wrdreg $0x9  }
0xb4: {  	_ =	task.clear_ibuf [dreg:s8], $0x7FFFF;
	_ =	strace $0x90000046  }
0xb5: {  	s29 =	simm.s32 $0x9;
	_ =	strace $0x80000048  }
0xb6: {  	_ =	swait.ge [sflag:s29], $0x1  }
0xb7: {  	[sflag:s29] =	ssyncadd.s32 $0xFFFFFFFF  }
0xb8: {  	_ =	strace $0x90000048  }
0xb9: {  	_ =	sfence  }
0xba: {  	s30 =	sld [smem:$0x0];
	_ =	sdelay $0x2  }
0xbb: {  	s31 =	sshll.u32 s1, $0xD;
	s1 =	sshrl.u32 s1, $0x2  }
0xbc: {  	s3 =	sand.u32 $0x4000, s31;
	s1 =	sadd.s32 s1, s30  }
0xbd: {  	s0 =	sor.u32 s3, s0;
	s1 =	sshll.u32 s1, $0x11  }
0xbe: {  	s0 =	sor.u32 s1, s0  }
0xbf: {  	s0 =	sadd.s32 $0x8F2B, s0  }
0xc0: {  	[sflag:s0] =	ssyncadd.remote.s32 $0x1  }
0xc1: {  	_ =	sfence.sel $0xFFFF  }
0xc2: {  	[dreg:$0x0] =	wrdreg $0xFFFFFFFF;
	(pc) =	sbr.abs _section_cstart, $3  }
0xc3: {  	[dreg:$0x1] =	wrdreg $0xFFFFFFFF  }
0xc4: {  	_ =	task.clear_ibuf [dreg:s8], $0x2FFFF;
	_ =	strace $0x9FFFFFFF  }
0xc5: {  	(tm) =	ssettm $0x7FFFFFFF  }
tec
execute0_lowered:
.L_overlay_start_1:
0x0: {  	(tag) =	ssettag $0x1  }
0x1: {  	s0 =	rddreg [dreg:$0x0]  }
0x2: {  	s1 =	rddreg [dreg:$0x1]  }
0x3: {  	s15 =	rddreg [dreg:$0x2]  }
0x4: {  	s2 =	rddreg [dreg:$0x3];
	s4 =	srdreg.scid  }
0x5: {  	s3 =	simm.s32 $0x0;
	s17 =	simm.s32 $0x80;
	s18 =	simm.s32 $0x100  }
0x6: {  	s19 =	simm.s32 $0x3;
	s20 =	simm.s32 $0x1380;
	s23 =	simm.s32 $0x2800  }
0x7: {  	s24 =	simm.s32 $0x6800;
	s25 =	simm.s32 $0x1;
	s28 =	simm.s32 $0x2580  }
0x8: {  	s29 =	simm.s32 $0x2600;
	s30 =	simm.s32 $0x1300;
	s12 =	sand.u32 $0x1, s4  }
0x9: {  	[smem:$0x7FF] =	sst s3;
	s4 =	stileid.u32;
	s13 =	sadd.s32 $0x28F00, s15  }
0xa: {  	s5 =	sshll.u32 s12, $0x4;
	s6 =	smul.u32 $0x2700, s4;
	s7 =	ssub.s32 $0x2, s12  }
0xb: {  	_ =	strace $0x80000047;
	s26 =	sshll.u32 s12, $0x5;
	s11 =	smul.u32 $0x4E000, s4  }
0xc: {  	p1 =	seq.s32 s12, $0x1;
	p0 =	sne.s32 s4, $0x0;
	s5 =	sor.u32 s4, s5  }
0xd: {  	p2 =	seq.s32 s4, $0xF;
	s8 =	sshrl.u32 s7, $0x1;
	s9 =	smul.u32 $0x4E0, s5  }
0xe: {  	s5 =	sadd.s32 $0x1E00, s15;
	s14 =	sadd.s32 s6, s15;
	s16 =	ssub.s32 s7, s8  }
0xf: {  	s8 =	sadd.s32 $0x124800, s2;
	s31 =	sshrl.u32 s11, $0x2;
	s15 =	sadd.s32 $0x50100, s15  }
0x10: {  	s11 =	sadd.s32 s31, s2;
	s12 =	sadd.s32 $0x4600, s14;
	s14 =	sadd.s32 $0x2B800, s14  }
0x11: {  	s16 =	smax.u32 s16, $0x1;
	s6 =	sadd.s32 s0, s9;
	s0 =	sadd.s32 s26, s0  }
0x12: {  	s26 =	simm.s32 $0x2;
	s7 =	sadd.s32 $0x10, s6;
	s9 =	sadd.s32 $0x9C00, s0  }
0x13: {  	s10 =	sadd.s32 $0x9C10, s0;
	s0 =	simm.s32 $0x0;
	[dreg:$0x5] =	wrdreg s9  }
.LBB2_1:
0x14: {  	[tilespmem:s3], [sflag:$0x3] =	stream.strided.gather [hbm4b:s6+s17], $0x1380, s18, s17, $0x38;
	[tilespmem:$0x1E080] =	vst v63  }
0x15: {  	_ =	swait.ge [sflag:s19], $0x1380  }
0x16: {  	[sflag:s19] =	ssyncset.done $0x0  }
.Ltmp0:
0x17: {  	[sflag:s19] =	ssyncadd.s32 $0xFFFFEC80;
	(pc) =	sbr.rel @!p0 .LBB2_2-.Ltmp0, $4  }
0x18: {  	[tilespmem:s20], [sflag:$0x3] =	stream.strided.gather [hbm4b:s7+s17], $0x1380, s18, s17, $0x38;
	[tilespmem:$0x1E080] =	vst v63  }
0x19: {  	_ =	swait.ge [sflag:s19], $0x1380  }
0x1a: {  	[sflag:s19] =	ssyncset.done $0x0  }
0x1b: {  	[sflag:s19] =	ssyncadd.s32 $0xFFFFEC80  }
.Ltmp1:
0x1c: {  	(pc) =	sbr.rel @!p2 .LBB2_4-.Ltmp1, $4  }
0x1d: {  	_ = 	snop  }
0x1e: {  	[tilespmem:s23], [sflag:$0x1] =	stream.indirect.gather [hbm4b:s1+s17], $0x80, s3, s17, $0xb8;
	[tilespmem:$0x1E080] =	vst v63  }
0x1f: {  	_ = 	snop  }
0x20: {  	[tilespmem:s24], [sflag:$0x2] =	stream.indirect.gather [hbm4b:s1+s17], $0x80, s17, s17, $0xb8;
	[tilespmem:$0x1E080] =	vst v63  }
.Ltmp2:
0x21: {  	s21 =	sshrl.u32 s8, $0x3;
	s9 =	simm.s32 $0x1FC3;
	(pc) =	sbr.rel .LBB2_6-.Ltmp2, $4  }
0x22: {  	[spmem:s21], [sflag:s9] =	dma.local [hbm:s5], $0x2800  }
0x23: {  	_ =	swait.ge [sflag:s19], $0x2800  }
0x24: {  	[sflag:s19] =	ssyncset.done $0x0  }
0x25: {  	p3 =	por $0x1, $0x1;
	[sflag:s19] =	ssyncadd.s32 $0xFFFFD800  }
.LBB2_2:
0x26: {  	s9 =	rddreg [dreg:$0x5];
	s21 =	simm.s32 $0x2700  }
0x27: {  	[tilespmem:s21], [sflag:$0x3] =	stream.linear.gather [hbm4b:s9+s3], $0x80, $0x38;
	[tilespmem:$0x1E080] =	vst v63  }
0x28: {  	_ =	swait.ge [sflag:s19], $0x80  }
0x29: {  	[sflag:s19] =	ssyncset.done $0x0  }
0x2a: {  	s31 =	simm.s32 $0x2780;
	[sflag:s19] =	ssyncadd.s32 $0xFFFFFF80  }
0x2b: {  	[tilespmem:s31], [sflag:$0x3] =	stream.linear.gather [hbm4b:s10+s3], $0x80, $0x38;
	[tilespmem:$0x1E080] =	vst v63  }
0x2c: {  	_ =	swait.ge [sflag:s19], $0x80  }
0x2d: {  	[sflag:s19] =	ssyncset.done $0x0  }
0x2e: {  	[sflag:s19] =	ssyncadd.s32 $0xFFFFFF80  }
0x2f: {  	[tilespmem:s23], [sflag:$0x1] =	stream.indirect.gather [hbm4b:s1+s17], $0x80, s3, s17, $0xb8;
	[tilespmem:$0x1E080] =	vst v63  }
0x30: {  	_ = 	snop  }
0x31: {  	[tilespmem:s24], [sflag:$0x2] =	stream.indirect.gather [hbm4b:s1+s17], $0x80, s17, s17, $0xb8;
	[tilespmem:$0x1E080] =	vst v63  }
.LBB2_4:
0x32: {  	s21 =	sshll.u32 s4, $0x6  }
0x33: {  	s31 =	sshrl.u32 s11, $0x3;
	s21 =	sor.u32 $0x1C03, s21  }
0x34: {  	[spmem:s31], [sflag:s21] =	dma.local [hbm:s5], $0x2700  }
0x35: {  	_ =	swait.ge [sflag:s19], $0x2700  }
0x36: {  	[sflag:s19] =	ssyncset.done $0x0  }
0x37: {  	p3 =	por $0x0, $0x0;
	[sflag:s19] =	ssyncadd.s32 $0xFFFFD900  }
.LBB2_6:
0x38: {  	[bflag:$0x0] =	sbarrier.arrive $0xFFFF  }
0x39: {  	_ =	swait.ge [sflag:s25], $0x4000  }
0x3a: {  	[sflag:s25] =	ssyncset.done $0x0  }
0x3b: {  	s21 =	simm.s32 $0x1380;
	[sflag:s25] =	ssyncadd.s32 $0xFFFFC000  }
0x3c: {  	[spmem:s2] =	stream.indirect.scatter.add.f32 [tilespmem:s23], [sflag:$0x3], $0x80, s21, s17, $0xb8;
	[tilespmem:$0x1E080] =	vst v63  }
0x3d: {  	_ =	swait.ge [sflag:s19], $0x4000  }
0x3e: {  	[sflag:s19] =	ssyncset.done $0x0  }
0x3f: {  	s9 =	simm.s32 $0x100;
	[sflag:s19] =	ssyncadd.s32 $0xFFFFC000  }
0x40: {  	[tilespmem:s23], [sflag:$0x1] =	stream.indirect.gather [hbm4b:s1+s17], $0x80, s9, s17, $0xb8;
	[tilespmem:$0x1E080] =	vst v63  }
0x41: {  	_ =	swait.ge [sflag:s26], $0x4000  }
0x42: {  	[sflag:s26] =	ssyncset.done $0x0  }
0x43: {  	s22 =	simm.s32 $0x1400;
	[sflag:s26] =	ssyncadd.s32 $0xFFFFC000  }
0x44: {  	[spmem:s2] =	stream.indirect.scatter.add.f32 [tilespmem:s24], [sflag:$0x3], $0x80, s22, s17, $0xb8;
	[tilespmem:$0x1E080] =	vst v63  }
0x45: {  	_ =	swait.ge [sflag:s19], $0x4000  }
0x46: {  	[sflag:s19] =	ssyncset.done $0x0  }
0x47: {  	s31 =	simm.s32 $0x400;
	s21 =	simm.s32 $0x180;
	[sflag:s19] =	ssyncadd.s32 $0xFFFFC000  }
.LBB2_7:
0x48: {  	[tilespmem:s24], [sflag:$0x2] =	stream.indirect.gather [hbm4b:s1+s17], $0x80, s21, s17, $0xb8;
	[tilespmem:$0x1E080] =	vst v63  }
0x49: {  	s21 =	smov.u32 s31  }
0x4a: {  	p4 =	sne.s32 s31, $0x4400;
	s31 =	sadd.s32 $0x400, s31;
	_ =	swait.ge [sflag:s25], $0x4000  }
0x4b: {  	s21 =	sshra.s32 s21, $0x2;
	[sflag:s25] =	ssyncset.done $0x0  }
0x4c: {  	s22 =	sadd.s32 $0x1380, s21;
	[sflag:s25] =	ssyncadd.s32 $0xFFFFC000  }
0x4d: {  	[spmem:s2] =	stream.indirect.scatter.add.f32 [tilespmem:s23], [sflag:$0x3], $0x80, s22, s17, $0xb8;
	[tilespmem:$0x1E080] =	vst v63  }
0x4e: {  	_ =	swait.ge [sflag:s19], $0x4000  }
0x4f: {  	[sflag:s19] =	ssyncset.done $0x0  }
0x50: {  	s22 =	sadd.s32 $0x100, s21;
	[sflag:s19] =	ssyncadd.s32 $0xFFFFC000  }
0x51: {  	[tilespmem:s23], [sflag:$0x1] =	stream.indirect.gather [hbm4b:s1+s17], $0x80, s22, s17, $0xb8;
	[tilespmem:$0x1E080] =	vst v63  }
0x52: {  	_ =	swait.ge [sflag:s26], $0x4000  }
0x53: {  	[sflag:s26] =	ssyncset.done $0x0  }
.Ltmp3:
0x54: {  	s22 =	sadd.s32 $0x1400, s21;
	[sflag:s26] =	ssyncadd.s32 $0xFFFFC000;
	(pc) =	sbr.rel @p4 .LBB2_7-.Ltmp3, $4  }
0x55: {  	[spmem:s2] =	stream.indirect.scatter.add.f32 [tilespmem:s24], [sflag:$0x3], $0x80, s22, s17, $0xb8;
	[tilespmem:$0x1E080] =	vst v63  }
0x56: {  	_ =	swait.ge [sflag:s19], $0x4000  }
0x57: {  	[sflag:s19] =	ssyncset.done $0x0  }
0x58: {  	s21 =	sadd.s32 $0x180, s21;
	[sflag:s19] =	ssyncadd.s32 $0xFFFFC000  }
0x59: {  	[tilespmem:s24], [sflag:$0x2] =	stream.indirect.gather [hbm4b:s1+s17], $0x80, s21, s17, $0xb8;
	[tilespmem:$0x1E080] =	vst v63  }
0x5a: {  	_ =	swait.ge [sflag:s25], $0x4000  }
0x5b: {  	[sflag:s25] =	ssyncset.done $0x0  }
0x5c: {  	[sflag:s25] =	ssyncadd.s32 $0xFFFFC000  }
0x5d: {  	[spmem:s2] =	stream.indirect.scatter.add.f32 [tilespmem:s23], [sflag:$0x3], $0x80, s28, s17, $0xb8;
	[tilespmem:$0x1E080] =	vst v63  }
0x5e: {  	_ =	swait.ge [sflag:s19], $0x4000  }
0x5f: {  	[sflag:s19] =	ssyncset.done $0x0  }
0x60: {  	[sflag:s19] =	ssyncadd.s32 $0xFFFFC000  }
0x61: {  	_ =	swait.ge [sflag:s26], $0x4000  }
0x62: {  	[sflag:s26] =	ssyncset.done $0x0  }
0x63: {  	[sflag:s26] =	ssyncadd.s32 $0xFFFFC000  }
0x64: {  	[spmem:s2] =	stream.indirect.scatter.add.f32 [tilespmem:s24], [sflag:$0x3], $0x80, s29, s17, $0xb8;
	[tilespmem:$0x1E080] =	vst v63  }
0x65: {  	_ =	swait.ge [sflag:s19], $0x4000  }
0x66: {  	[sflag:s19] =	ssyncset.done $0x0  }
0x67: {  	s21 =	simm.s32 @p0 $0x1;
	[sflag:s19] =	ssyncadd.s32 $0xFFFFC000  }
0x68: {  	[tilespmem:s23], [sflag:$0x1] =	stream.indirect.gather [hbm4b:s1+s17], $0x80, s30, s17, $0xb8;
	[tilespmem:$0x1E080] =	vst v63  }
0x69: {  	_ =	swait.ge @p0 [sflag:s21], $0x4000  }
0x6a: {  	s22 =	simm.s32 @p0 $0x2680;
	[sflag:s21] =	ssyncset.done @p0 $0x0  }
0x6b: {  	s31 =	simm.s32 @p0 $0x2800;
	[sflag:s21] =	ssyncadd.s32 @p0 $0xFFFFC000;
	s21 =	simm.s32 @p0 $0x80  }
0x6c: {  	[spmem:s2] =	stream.indirect.scatter.add.f32 @p0 [tilespmem:s31], [sflag:$0x3], $0x80, s22, s21, $0xb8;
	[tilespmem:$0x1E080] =	vst v63  }
0x6d: {  	s21 =	simm.s32 @!p0 $0x80;
	s22 =	simm.s32 @!p0 $0x2700;
	s31 =	simm.s32 @!p0 $0x6800  }
0x6e: {  	[tilespmem:s31], [sflag:$0x2] =	stream.indirect.gather @!p0 [hbm4b:s1+s21], $0x80, s22, s21, $0xb8;
	[tilespmem:$0x1E080] =	vst v63  }
0x6f: {  	s22 =	simm.s32 @!p0 $0x1  }
0x70: {  	_ =	swait.ge @!p0 [sflag:s22], $0x4000  }
0x71: {  	[sflag:s22] =	ssyncset.done @!p0 $0x0  }
0x72: {  	s9 =	simm.s32 @!p0 $0x2800;
	[sflag:s22] =	ssyncadd.s32 @!p0 $0xFFFFC000;
	s22 =	simm.s32 @!p0 $0x2680  }
0x73: {  	[spmem:s2] =	stream.indirect.scatter.add.f32 @!p0 [tilespmem:s9], [sflag:$0x3], $0x80, s22, s21, $0xb8;
	[tilespmem:$0x1E080] =	vst v63  }
0x74: {  	s9 =	simm.s32 @!p0 $0x3  }
0x75: {  	_ =	swait.ge @!p0 [sflag:s9], $0x4000  }
0x76: {  	[sflag:s9] =	ssyncset.done @!p0 $0x0  }
0x77: {  	[sflag:s9] =	ssyncadd.s32 @!p0 $0xFFFFC000;
	s9 =	simm.s32 @!p0 $0x2  }
0x78: {  	_ =	swait.ge @!p0 [sflag:s9], $0x4000  }
0x79: {  	[sflag:s9] =	ssyncset.done @!p0 $0x0  }
0x7a: {  	[sflag:s9] =	ssyncadd.s32 @!p0 $0xFFFFC000;
	s9 =	simm.s32 @!p0 $0x2780  }
0x7b: {  	[spmem:s2] =	stream.indirect.scatter.add.f32 @!p0 [tilespmem:s31], [sflag:$0x3], $0x80, s9, s21, $0xb8;
	[tilespmem:$0x1E080] =	vst v63  }
0x7c: {  	_ =	swait.ge [sflag:s19], $0x4000  }
0x7d: {  	p4 =	por !p3, !p1;
	[sflag:s19] =	ssyncset.done $0x0  }
0x7e: {  	s9 =	sshll.u32 @!p4 s4, $0x6;
	[sflag:s19] =	ssyncadd.s32 $0xFFFFC000  }
0x7f: {  	s21 =	sshrl.u32 @!p4 s8, $0x3;
	s9 =	sor.u32 @!p4 $0x1C03, s9;
	[bflag:$0x0] =	sbarrier.arrive $0xFFFF  }
0x80: {  	[hbm:s15], [sflag:s9] =	dma.local @!p4 [spmem:s21], $0x2800  }
0x81: {  	s9 =	simm.s32 @!p4 $0x3  }
0x82: {  	p5 =	por p3, !p1;
	_ =	swait.ge @!p4 [sflag:s9], $0x2800  }
0x83: {  	s21 =	sshll.u32 @!p5 s4, $0x6;
	[sflag:s9] =	ssyncset.done @!p4 $0x0  }
0x84: {  	[sflag:s9] =	ssyncadd.s32 @!p4 $0xFFFFD800;
	s9 =	sor.u32 @!p5 $0x1C03, s21;
	s21 =	sshrl.u32 @!p5 s11, $0x3  }
0x85: {  	[hbm:s14], [sflag:s9] =	dma.local @!p5 [spmem:s21], $0x2700  }
0x86: {  	s9 =	simm.s32 @!p5 $0x3  }
0x87: {  	p4 =	por !p3, p1;
	_ =	swait.ge @!p5 [sflag:s9], $0x2700  }
0x88: {  	s21 =	sshll.u32 @!p4 s4, $0x6;
	[sflag:s9] =	ssyncset.done @!p5 $0x0  }
0x89: {  	[sflag:s9] =	ssyncadd.s32 @!p5 $0xFFFFD900;
	s9 =	sor.u32 @!p4 $0x1C03, s21;
	s21 =	sshrl.u32 @!p4 s8, $0x3  }
0x8a: {  	[hbm:s13], [sflag:s9] =	dma.local @!p4 [spmem:s21], $0x2800  }
0x8b: {  	s9 =	simm.s32 @!p4 $0x3  }
0x8c: {  	_ =	swait.ge @!p4 [sflag:s9], $0x2800  }
0x8d: {  	p3 =	por p3, p1;
	[sflag:s9] =	ssyncset.done @!p4 $0x0  }
0x8e: {  	s0 =	sadd.s32 $0x1, s0;
	s21 =	sshll.u32 @!p3 s4, $0x6;
	[sflag:s9] =	ssyncadd.s32 @!p4 $0xFFFFD800  }
0x8f: {  	s9 =	sor.u32 @!p3 $0x1C03, s21;
	s21 =	sshrl.u32 @!p3 s11, $0x3;
	p4 =	sne.s32 s0, s16  }
0x90: {  	[hbm:s12], [sflag:s9] =	dma.local @!p3 [spmem:s21], $0x2700  }
.Ltmp4:
0x91: {  	_ = 	snop;
	(pc) =	sbr.rel @p4 .LBB2_1-.Ltmp4, $4  }
0x92: {  	s9 =	simm.s32 @!p3 $0x3  }
0x93: {  	_ =	swait.ge @!p3 [sflag:s9], $0x2700  }
0x94: {  	[sflag:s9] =	ssyncset.done @!p3 $0x0  }
0x95: {  	[sflag:s9] =	ssyncadd.s32 @!p3 $0xFFFFD900  }
0x96: {  	_ =	sfence.sel $0x180000  }
0x97: {  	[bflag:$0x0] =	sbarrier.arrive $0xFFFF  }
0x98: {  	_ =	strace $0x90000047  }
0x99: {  	[bflag:$0x2] =	sbarrier.arrive $0xFFFF  }
0x9a: {  	s0 =	rddreg [dreg:$0x4]  }
0x9b: {  	s0 =	sadd.s32 @!p0 $0x100000, s0  }
0x9c: {  	[sflag:s0] =	ssyncadd.tile.s32 @!p0 $0x1;
	_ =	shalt  }
.Lfunc_end2:
_tile_overlayer_lowered:
.L_overlay_start_2:
0x9d: {  	(tag) =	ssettag $0x2  }
0x9e: {  	s0 =	rddreg [dreg:$0x0];
	s2 =	stileid.u32  }
0x9f: {  	s1 =	rddreg [dreg:$0x1];
	p0 =	sne.s32 s2, $0x0  }
0xa0: {  	s3 =	rddreg [dreg:$0x2];
	[bflag:$0x3] =	sbarrier.arrive $0xFFFF;
	s2 =	simm.s32 @!p0 $0x1C03  }
0xa1: {  	[timem:s3], [sflag:s2] =	dma.local @!p0 [hbm:s0], s1  }
0xa2: {  	s0 =	simm.s32 @!p0 $0x3  }
0xa3: {  	_ =	swait.ge @!p0 [sflag:s0], s1  }
0xa4: {  	s1 =	ssub.s32 @!p0 $0x0, s1;
	[sflag:s0] =	ssyncset.done @!p0 $0x0  }
0xa5: {  	[sflag:s0] =	ssyncadd.s32 @!p0 s1  }
0xa6: {  	[bflag:$0x3] =	sbarrier.arrive $0xFFFF  }
0xa7: {  	_ =	shalt  }

</sc_bundles>
